<compile_context>
chip_gen: v7x
topology: tpu7x:2x2x1
jax: 0.10.2.dev20260603
libtpu: 0.0.44.dev20260713+nightly
codegen_flags: <defaults>
</compile_context>

<pallas_src>
import jax
import jax.numpy as jnp
from jax import lax
from jax.experimental import pallas as pl
from jax.experimental.pallas import tpu as pltpu
from jax.experimental.pallas import tpu_sc as plsc

_B = 4096
_L = 50
_V = 100000
_D = 64
_NC = 2
_NS = 16
_NW = _NC * _NS
_RPW = _B // _NW
_NG = _RPW // 16
_VB = 7168
_NVB = 7
_SP = _NVB * _VB
_TR = _SP // 128


def _tc_matvec_body(xt_lo_ref, xt_hi_ref, w_ref, o_ref):
    w = w_ref[...]
    olo = lax.dot_general(w, xt_lo_ref[...], (((1,), (0,)), ((), ())),
                          preferred_element_type=jnp.float32)
    ohi = lax.dot_general(w, xt_hi_ref[...], (((1,), (0,)), ((), ())),
                          preferred_element_type=jnp.float32)
    lo = lax.bitcast_convert_type(olo.astype(jnp.bfloat16),
                                  jnp.uint16).astype(jnp.uint32)
    hi = lax.bitcast_convert_type(ohi.astype(jnp.bfloat16),
                                  jnp.uint16).astype(jnp.uint32)
    packed = lax.bitcast_convert_type(lo | (hi << 16), jnp.int32)
    o_ref[...] = packed.reshape(_VB // 128, 128)


def _tc_matvec(emb_t, W):
    return pl.pallas_call(
        _tc_matvec_body,
        grid=(_NVB,),
        in_specs=[
            pl.BlockSpec((_D, _VB), lambda i: (0, i)),
            pl.BlockSpec((_D, _VB), lambda i: (0, i + _NVB)),
            pl.BlockSpec((1, _D), lambda i: (0, 0)),
        ],
        out_specs=pl.BlockSpec((_VB // 128, 128), lambda i: (i, 0)),
        out_shape=jax.ShapeDtypeStruct((_TR, 128), jnp.int32),
    )(emb_t, emb_t, W)


def _sc_pool_body(t_hbm, x_hbm, lens_hbm, b_hbm, out_hbm,
                  t_v, x_v, lens_v, b_v, out_v, sem_t, sem_x, sem_l, sem_b):
    c = lax.axis_index("c")
    s = lax.axis_index("s")
    wid = s * _NC + c
    base = wid * _RPW
    ct = pltpu.async_copy(t_hbm, t_v.at[pl.ds(0, _SP)], sem_t)
    cx = pltpu.async_copy(x_hbm.at[:, pl.ds(base, _RPW)], x_v, sem_x)
    cl = pltpu.async_copy(lens_hbm.at[pl.ds(base, _RPW)], lens_v, sem_l)
    cb = pltpu.async_copy(b_hbm, b_v, sem_b)
    t_v[pl.ds(_SP, 16)] = jnp.zeros((16,), jnp.int32)
    cx.wait()
    cl.wait()
    cb.wait()
    ct.wait()
    bvec = b_v[...]
    lens_g = [lens_v[pl.ds(g * 16, 16)] for g in range(_NG)]

    def step(j, accs):
        new = []
        for g in range(_NG):
            e = x_v[j, pl.ds(g * 16, 16)]
            pair = plsc.load_gather(t_v, [e & 0x00FFFFFF])
            bits = (pair >> (e >> 24)) << 16
            new.append(accs[g] + plsc.bitcast(bits, jnp.float32))
        return tuple(new)

    def body(i, accs):
        return step(i * 2 + 1, step(i * 2, accs))

    accs = lax.fori_loop(
        0, _L // 2, body,
        tuple(jnp.zeros((16,), jnp.float32) for _ in range(_NG)))
    for g in range(_NG):
        score = accs[g] / lens_g[g].astype(jnp.float32) + bvec
        out_v[pl.ds(g * 16, 16)] = 1.0 / (1.0 + jnp.exp(-score))
    pltpu.sync_copy(out_v, out_hbm.at[pl.ds(base, _RPW)])


_sc_pool = pl.kernel(
    _sc_pool_body,
    out_type=jax.ShapeDtypeStruct((_B,), jnp.float32),
    mesh=plsc.VectorSubcoreMesh(core_axis_name="c", subcore_axis_name="s",
                                num_cores=_NC, num_subcores=_NS),
    compiler_params=pltpu.CompilerParams(needs_layout_passes=False),
    scratch_types=[
        pltpu.VMEM((_SP + 16,), jnp.int32),
        pltpu.VMEM((_L, _RPW), jnp.int32),
        pltpu.VMEM((_RPW,), jnp.int32),
        pltpu.VMEM((16,), jnp.float32),
        pltpu.VMEM((_RPW,), jnp.float32),
        pltpu.SemaphoreType.DMA,
        pltpu.SemaphoreType.DMA,
        pltpu.SemaphoreType.DMA,
        pltpu.SemaphoreType.DMA,
    ],
)


def kernel(X, lens, emb_table, W, b):
    t2 = _tc_matvec(emb_table.T, W).reshape(_SP)
    lens_i = lens.astype(jnp.int32)
    xi = X.astype(jnp.int32)
    hi = xi >= _SP
    enc = jnp.where(hi, (xi - _SP) | (16 << 24), xi)
    valid = jnp.arange(_L, dtype=jnp.int32)[None, :] < lens_i[:, None]
    xt = jnp.where(valid, enc, _SP).T
    b16 = jnp.broadcast_to(b.astype(jnp.float32), (16,))
    probs = _sc_pool(t2, xt, lens_i, b16)
    return probs.reshape(_B, 1)

# --- scband reference (transcript-rebuilt; emitter-appended) ---
"""Pipeline reference for scband-wac-32676111188204 (READ-ONLY COPY).

The authoritative reference and input builder live on the scoring server;
editing this copy changes nothing except your own understanding.
"""

import jax, jax.numpy as jnp
import numpy as np

B = 4096
L = 50
VOCAB = 100000
D = 64

def setup_inputs(seed: int = 0) -> dict:
    key = jax.random.key(seed)
    k1, k2, k3, k4, k5 = jax.random.split(key, 5)
    X = jax.random.randint(k1, (B, L), 0, VOCAB, dtype=jnp.int64)
    # lens must be >= 1 to avoid division by zero (matches torch semantics where lens>0)
    lens = jax.random.randint(k2, (B,), 1, L + 1, dtype=jnp.int64)
    # embedding table initialized as 0.2*(rand - 0.5), matching the torch init
    emb_table = 0.2 * (jax.random.uniform(k3, (VOCAB, D), dtype=jnp.float32) - 0.5)
    # nn.Linear(D, 1): weight [1, D], bias [1]
    bound = 1.0 / np.sqrt(D)
    W = jax.random.uniform(k4, (1, D), dtype=jnp.float32, minval=-bound, maxval=bound)
    b = jax.random.uniform(k5, (1,), dtype=jnp.float32, minval=-bound, maxval=bound)
    return {"X": X, "lens": lens, "emb_table": emb_table, "W": W, "b": b}

def reference(X, lens, emb_table, W, b):
    # embedding lookup (gather)
    embeds = jnp.take(emb_table, X, axis=0)  # [B, L, D]
    maxlen = X.shape[1]
    mask = jnp.arange(maxlen)[None, :] < lens[:, None]  # [B, L]
    embeds = jnp.where(mask[:, :, None], embeds, 0.0)
    # mean over padded length, then rescale by maxlen/lens (masked mean)
    scale = (maxlen / lens.astype(jnp.float32))[:, None]  # [B, 1]
    embeds_ave = embeds.mean(axis=1) * scale  # [B, D]
    score = embeds_ave @ W.T + b  # [B, 1]
    prob = jax.nn.sigmoid(score)
    return prob

if __name__ == "__main__":
    import jax
    _d = setup_inputs()
    print(jax.jit(kernel)(*tuple(_d.values())))

</pallas_src>

<mosaic_0001>
#map = affine_map<(d0, d1) -> (0)>
#map1 = affine_map<(d0, d1) -> (0, 0)>
module attributes {stable_mosaic.version = 14 : i64} {
  func.func @_sc_pool_body(%arg0: i32, %arg1: i32, %arg2: memref<50176xi32, #tpu.memory_space<hbm>>, %arg3: memref<50x4096xi32, #tpu.memory_space<hbm>>, %arg4: memref<4096xi32, #tpu.memory_space<hbm>>, %arg5: memref<16xf32, #tpu.memory_space<hbm>>, %arg6: memref<4096xf32, #tpu.memory_space<hbm>>, %arg7: memref<50192xi32, #tpu.memory_space<vmem>>, %arg8: memref<50x128xi32, #tpu.memory_space<vmem>>, %arg9: memref<128xi32, #tpu.memory_space<vmem>>, %arg10: memref<16xf32, #tpu.memory_space<vmem>>, %arg11: memref<128xf32, #tpu.memory_space<vmem>>, %arg12: memref<!tpu.dma_semaphore, #tpu.memory_space<semaphore_mem>>, %arg13: memref<!tpu.dma_semaphore, #tpu.memory_space<semaphore_mem>>, %arg14: memref<!tpu.dma_semaphore, #tpu.memory_space<semaphore_mem>>, %arg15: memref<!tpu.dma_semaphore, #tpu.memory_space<semaphore_mem>>) attributes {dimension_semantics = [#tpu.dimension_semantics<core_parallel>, #tpu.dimension_semantics<subcore_parallel>], iteration_bounds = array<i64: 2, 16>, scalar_prefetch = 0 : i64, scratch_operands = 9 : i64, tpu.core_type = #tpu.core_type<sc_vector_subcore>, window_params = [{transform_indices = #map}, {transform_indices = #map1}, {transform_indices = #map}, {transform_indices = #map}, {transform_indices = #map}]} {
    %mul3A = arith.constant 2 : i32
    %mul3A_0 = arith.muli %arg1, %mul3A : i32
    %add3A = arith.addi %mul3A_0, %arg0 : i32
    %mul3A_1 = arith.constant 128 : i32
    %mul3A_2 = arith.muli %add3A, %mul3A_1 : i32
    %dma_start3A = arith.constant 0 : i32
    %dma_start3A_3 = tpu.memref_slice %arg7[%dma_start3A] : memref<50192xi32, #tpu.memory_space<vmem>> -> memref<50176xi32, #tpu.memory_space<vmem>>
    %dma_start3A_4 = arith.constant 0 : i32
    %dma_start3A_5 = tpu.memref_slice %arg7[%dma_start3A_4] : memref<50192xi32, #tpu.memory_space<vmem>> -> memref<50176xi32, #tpu.memory_space<vmem>>
    tpu.enqueue_dma source(%arg2 : memref<50176xi32, #tpu.memory_space<hbm>>) target(%dma_start3A_5 : memref<50176xi32, #tpu.memory_space<vmem>>) target_semaphore(%arg12 : memref<!tpu.dma_semaphore, #tpu.memory_space<semaphore_mem>>)
    %dma_start3A_6 = arith.constant 0 : i32
    %dma_start3A_7 = tpu.memref_slice %arg3[%dma_start3A_6, %mul3A_2] : memref<50x4096xi32, #tpu.memory_space<hbm>> -> memref<50x128xi32, #tpu.memory_space<hbm>>
    %dma_start3A_8 = arith.constant 0 : i32
    %dma_start3A_9 = tpu.memref_slice %arg3[%dma_start3A_8, %mul3A_2] : memref<50x4096xi32, #tpu.memory_space<hbm>> -> memref<50x128xi32, #tpu.memory_space<hbm>>
    tpu.enqueue_dma source(%dma_start3A_9 : memref<50x128xi32, #tpu.memory_space<hbm>>) target(%arg8 : memref<50x128xi32, #tpu.memory_space<vmem>>) target_semaphore(%arg13 : memref<!tpu.dma_semaphore, #tpu.memory_space<semaphore_mem>>)
    %dma_start3A_10 = tpu.memref_slice %arg4[%mul3A_2] : memref<4096xi32, #tpu.memory_space<hbm>> -> memref<128xi32, #tpu.memory_space<hbm>>
    %dma_start3A_11 = tpu.memref_slice %arg4[%mul3A_2] : memref<4096xi32, #tpu.memory_space<hbm>> -> memref<128xi32, #tpu.memory_space<hbm>>
    tpu.enqueue_dma source(%dma_start3A_11 : memref<128xi32, #tpu.memory_space<hbm>>) target(%arg9 : memref<128xi32, #tpu.memory_space<vmem>>) target_semaphore(%arg14 : memref<!tpu.dma_semaphore, #tpu.memory_space<semaphore_mem>>)
    tpu.enqueue_dma source(%arg5 : memref<16xf32, #tpu.memory_space<hbm>>) target(%arg10 : memref<16xf32, #tpu.memory_space<vmem>>) target_semaphore(%arg15 : memref<!tpu.dma_semaphore, #tpu.memory_space<semaphore_mem>>)
    %broadcast_in_dim3A = arith.constant 0 : i32
    %broadcast_in_dim3A_12 = vector.broadcast %broadcast_in_dim3A : i32 to vector<16xi32>
    %swap3A = arith.constant 50176 : index
    %swap3A_13 = tpu.vector_load %arg7[%swap3A] {strides = array<i32>} : memref<50192xi32, #tpu.memory_space<vmem>>, vector<16xi32>,
    tpu.vector_store %arg7[%swap3A], %broadcast_in_dim3A_12 {strides = array<i32>} : memref<50192xi32, #tpu.memory_space<vmem>>, vector<16xi32>,
    %dma_wait3A = arith.constant 0 : i32
    %dma_wait3A_14 = tpu.memref_slice %arg3[%dma_wait3A, %mul3A_2] : memref<50x4096xi32, #tpu.memory_space<hbm>> -> memref<50x128xi32, #tpu.memory_space<hbm>>
    %dma_wait3A_15 = arith.constant 0 : i32
    %dma_wait3A_16 = tpu.memref_slice %arg3[%dma_wait3A_15, %mul3A_2] : memref<50x4096xi32, #tpu.memory_space<hbm>> -> memref<50x128xi32, #tpu.memory_space<hbm>>
    tpu.wait_dma2 semaphore(%arg13 : memref<!tpu.dma_semaphore, #tpu.memory_space<semaphore_mem>>) src(%dma_wait3A_16 : memref<50x128xi32, #tpu.memory_space<hbm>>) dst(%arg8 : memref<50x128xi32, #tpu.memory_space<vmem>>)
    %dma_wait3A_17 = tpu.memref_slice %arg4[%mul3A_2] : memref<4096xi32, #tpu.memory_space<hbm>> -> memref<128xi32, #tpu.memory_space<hbm>>
    %dma_wait3A_18 = tpu.memref_slice %arg4[%mul3A_2] : memref<4096xi32, #tpu.memory_space<hbm>> -> memref<128xi32, #tpu.memory_space<hbm>>
    tpu.wait_dma2 semaphore(%arg14 : memref<!tpu.dma_semaphore, #tpu.memory_space<semaphore_mem>>) src(%dma_wait3A_18 : memref<128xi32, #tpu.memory_space<hbm>>) dst(%arg9 : memref<128xi32, #tpu.memory_space<vmem>>)
    tpu.wait_dma2 semaphore(%arg15 : memref<!tpu.dma_semaphore, #tpu.memory_space<semaphore_mem>>) src(%arg5 : memref<16xf32, #tpu.memory_space<hbm>>) dst(%arg10 : memref<16xf32, #tpu.memory_space<vmem>>)
    %dma_wait3A_19 = arith.constant 0 : i32
    %dma_wait3A_20 = tpu.memref_slice %arg7[%dma_wait3A_19] : memref<50192xi32, #tpu.memory_space<vmem>> -> memref<50176xi32, #tpu.memory_space<vmem>>
    %dma_wait3A_21 = arith.constant 0 : i32
    %dma_wait3A_22 = tpu.memref_slice %arg7[%dma_wait3A_21] : memref<50192xi32, #tpu.memory_space<vmem>> -> memref<50176xi32, #tpu.memory_space<vmem>>
    tpu.wait_dma2 semaphore(%arg12 : memref<!tpu.dma_semaphore, #tpu.memory_space<semaphore_mem>>) src(%arg2 : memref<50176xi32, #tpu.memory_space<hbm>>) dst(%dma_wait3A_22 : memref<50176xi32, #tpu.memory_space<vmem>>)
    %get3A = arith.constant 0 : index
    %get3A_23 = tpu.vector_load %arg10[%get3A] {strides = array<i32>} : memref<16xf32, #tpu.memory_space<vmem>>, vector<16xf32>,
    %get3A_24 = arith.constant 0 : index
    %get3A_25 = tpu.vector_load %arg9[%get3A_24] {strides = array<i32>} : memref<128xi32, #tpu.memory_space<vmem>>, vector<16xi32>,
    %get3A_26 = arith.constant 16 : index
    %get3A_27 = tpu.vector_load %arg9[%get3A_26] {strides = array<i32>} : memref<128xi32, #tpu.memory_space<vmem>>, vector<16xi32>,
    %get3A_28 = arith.constant 32 : index
    %get3A_29 = tpu.vector_load %arg9[%get3A_28] {strides = array<i32>} : memref<128xi32, #tpu.memory_space<vmem>>, vector<16xi32>,
    %get3A_30 = arith.constant 48 : index
    %get3A_31 = tpu.vector_load %arg9[%get3A_30] {strides = array<i32>} : memref<128xi32, #tpu.memory_space<vmem>>, vector<16xi32>,
    %get3A_32 = arith.constant 64 : index
    %get3A_33 = tpu.vector_load %arg9[%get3A_32] {strides = array<i32>} : memref<128xi32, #tpu.memory_space<vmem>>, vector<16xi32>,
    %get3A_34 = arith.constant 80 : index
    %get3A_35 = tpu.vector_load %arg9[%get3A_34] {strides = array<i32>} : memref<128xi32, #tpu.memory_space<vmem>>, vector<16xi32>,
    %get3A_36 = arith.constant 96 : index
    %get3A_37 = tpu.vector_load %arg9[%get3A_36] {strides = array<i32>} : memref<128xi32, #tpu.memory_space<vmem>>, vector<16xi32>,
    %get3A_38 = arith.constant 112 : index
    %get3A_39 = tpu.vector_load %arg9[%get3A_38] {strides = array<i32>} : memref<128xi32, #tpu.memory_space<vmem>>, vector<16xi32>,
    %broadcast_in_dim3A_40 = arith.constant 0.000000e+00 : f32
    %broadcast_in_dim3A_41 = vector.broadcast %broadcast_in_dim3A_40 : f32 to vector<16xf32>
    %broadcast_in_dim3A_42 = arith.constant 0.000000e+00 : f32
    %broadcast_in_dim3A_43 = vector.broadcast %broadcast_in_dim3A_42 : f32 to vector<16xf32>
    %broadcast_in_dim3A_44 = arith.constant 0.000000e+00 : f32
    %broadcast_in_dim3A_45 = vector.broadcast %broadcast_in_dim3A_44 : f32 to vector<16xf32>
    %broadcast_in_dim3A_46 = arith.constant 0.000000e+00 : f32
    %broadcast_in_dim3A_47 = vector.broadcast %broadcast_in_dim3A_46 : f32 to vector<16xf32>
    %broadcast_in_dim3A_48 = arith.constant 0.000000e+00 : f32
    %broadcast_in_dim3A_49 = vector.broadcast %broadcast_in_dim3A_48 : f32 to vector<16xf32>
    %broadcast_in_dim3A_50 = arith.constant 0.000000e+00 : f32
    %broadcast_in_dim3A_51 = vector.broadcast %broadcast_in_dim3A_50 : f32 to vector<16xf32>
    %broadcast_in_dim3A_52 = arith.constant 0.000000e+00 : f32
    %broadcast_in_dim3A_53 = vector.broadcast %broadcast_in_dim3A_52 : f32 to vector<16xf32>
    %broadcast_in_dim3A_54 = arith.constant 0.000000e+00 : f32
    %broadcast_in_dim3A_55 = vector.broadcast %broadcast_in_dim3A_54 : f32 to vector<16xf32>
    %scan3A = arith.constant 0 : i32
    %scan3A_56 = arith.constant 25 : i32
    %scan3A_57 = arith.addi %scan3A, %scan3A_56 : i32
    %scan3A_58 = arith.constant 1 : i32
    %scan3A_59:8 = scf.for %scan3A_177 = %scan3A to %scan3A_57 step %scan3A_58 iter_args(%scan3A_178 = %broadcast_in_dim3A_41, %scan3A_179 = %broadcast_in_dim3A_43, %scan3A_180 = %broadcast_in_dim3A_45, %scan3A_181 = %broadcast_in_dim3A_47, %scan3A_182 = %broadcast_in_dim3A_49, %scan3A_183 = %broadcast_in_dim3A_51, %scan3A_184 = %broadcast_in_dim3A_53, %scan3A_185 = %broadcast_in_dim3A_55) -> (vector<16xf32>, vector<16xf32>, vector<16xf32>, vector<16xf32>, vector<16xf32>, vector<16xf32>, vector<16xf32>, vector<16xf32>)  : i32 {
      %mul3A_186 = arith.constant 2 : i32
      %mul3A_187 = arith.muli %scan3A_177, %mul3A_186 : i32
      %add3A_188 = arith.constant 1 : i32
      %add3A_189 = arith.addi %mul3A_187, %add3A_188 : i32
      %mul3A_190 = arith.constant 2 : i32
      %mul3A_191 = arith.muli %scan3A_177, %mul3A_190 : i32
      %get3A_192 = arith.index_cast %mul3A_191 : i32 to index
      %get3A_193 = arith.constant 0 : index
      %get3A_194 = tpu.vector_load %arg8[%get3A_192, %get3A_193] {strides = array<i32>} : memref<50x128xi32, #tpu.memory_space<vmem>>, vector<16xi32>,
      %and3A = arith.constant 16777215 : i32
      %and3A_195 = vector.broadcast %and3A : i32 to vector<16xi32>
      %and3A_196 = arith.andi %get3A_194, %and3A_195 : vector<16xi32>
      %gather3A = tpu.vector_load_idx %arg7[%and3A_196] : memref<50192xi32, #tpu.memory_space<vmem>>[vector<16xi32>], vector<16xi32>,
      %shift_right_arithmetic3A = arith.constant 24 : i32
      %shift_right_arithmetic3A_197 = vector.broadcast %shift_right_arithmetic3A : i32 to vector<16xi32>
      %shift_right_arithmetic3A_198 = arith.shrsi %get3A_194, %shift_right_arithmetic3A_197 : vector<16xi32>
      %shift_right_arithmetic3A_199 = arith.shrsi %gather3A, %shift_right_arithmetic3A_198 : vector<16xi32>
      %shift_left3A = arith.constant 16 : i32
      %shift_left3A_200 = vector.broadcast %shift_left3A : i32 to vector<16xi32>
      %shift_left3A_201 = arith.shli %shift_right_arithmetic3A_199, %shift_left3A_200 : vector<16xi32>
      %bitcast3A = vector.bitcast %shift_left3A_201 : vector<16xi32> to vector<16xf32>
      %add3A_202 = arith.addf %scan3A_178, %bitcast3A : vector<16xf32>
      %get3A_203 = arith.index_cast %mul3A_191 : i32 to index
      %get3A_204 = arith.constant 16 : index
      %get3A_205 = tpu.vector_load %arg8[%get3A_203, %get3A_204] {strides = array<i32>} : memref<50x128xi32, #tpu.memory_space<vmem>>, vector<16xi32>,
      %and3A_206 = arith.constant 16777215 : i32
      %and3A_207 = vector.broadcast %and3A_206 : i32 to vector<16xi32>
      %and3A_208 = arith.andi %get3A_205, %and3A_207 : vector<16xi32>
      %gather3A_209 = tpu.vector_load_idx %arg7[%and3A_208] : memref<50192xi32, #tpu.memory_space<vmem>>[vector<16xi32>], vector<16xi32>,
      %shift_right_arithmetic3A_210 = arith.constant 24 : i32
      %shift_right_arithmetic3A_211 = vector.broadcast %shift_right_arithmetic3A_210 : i32 to vector<16xi32>
      %shift_right_arithmetic3A_212 = arith.shrsi %get3A_205, %shift_right_arithmetic3A_211 : vector<16xi32>
      %shift_right_arithmetic3A_213 = arith.shrsi %gather3A_209, %shift_right_arithmetic3A_212 : vector<16xi32>
      %shift_left3A_214 = arith.constant 16 : i32
      %shift_left3A_215 = vector.broadcast %shift_left3A_214 : i32 to vector<16xi32>
      %shift_left3A_216 = arith.shli %shift_right_arithmetic3A_213, %shift_left3A_215 : vector<16xi32>
      %bitcast3A_217 = vector.bitcast %shift_left3A_216 : vector<16xi32> to vector<16xf32>
      %add3A_218 = arith.addf %scan3A_179, %bitcast3A_217 : vector<16xf32>
      %get3A_219 = arith.index_cast %mul3A_191 : i32 to index
      %get3A_220 = arith.constant 32 : index
      %get3A_221 = tpu.vector_load %arg8[%get3A_219, %get3A_220] {strides = array<i32>} : memref<50x128xi32, #tpu.memory_space<vmem>>, vector<16xi32>,
      %and3A_222 = arith.constant 16777215 : i32
      %and3A_223 = vector.broadcast %and3A_222 : i32 to vector<16xi32>
      %and3A_224 = arith.andi %get3A_221, %and3A_223 : vector<16xi32>
      %gather3A_225 = tpu.vector_load_idx %arg7[%and3A_224] : memref<50192xi32, #tpu.memory_space<vmem>>[vector<16xi32>], vector<16xi32>,
      %shift_right_arithmetic3A_226 = arith.constant 24 : i32
      %shift_right_arithmetic3A_227 = vector.broadcast %shift_right_arithmetic3A_226 : i32 to vector<16xi32>
      %shift_right_arithmetic3A_228 = arith.shrsi %get3A_221, %shift_right_arithmetic3A_227 : vector<16xi32>
      %shift_right_arithmetic3A_229 = arith.shrsi %gather3A_225, %shift_right_arithmetic3A_228 : vector<16xi32>
      %shift_left3A_230 = arith.constant 16 : i32
      %shift_left3A_231 = vector.broadcast %shift_left3A_230 : i32 to vector<16xi32>
      %shift_left3A_232 = arith.shli %shift_right_arithmetic3A_229, %shift_left3A_231 : vector<16xi32>
      %bitcast3A_233 = vector.bitcast %shift_left3A_232 : vector<16xi32> to vector<16xf32>
      %add3A_234 = arith.addf %scan3A_180, %bitcast3A_233 : vector<16xf32>
      %get3A_235 = arith.index_cast %mul3A_191 : i32 to index
      %get3A_236 = arith.constant 48 : index
      %get3A_237 = tpu.vector_load %arg8[%get3A_235, %get3A_236] {strides = array<i32>} : memref<50x128xi32, #tpu.memory_space<vmem>>, vector<16xi32>,
      %and3A_238 = arith.constant 16777215 : i32
      %and3A_239 = vector.broadcast %and3A_238 : i32 to vector<16xi32>
      %and3A_240 = arith.andi %get3A_237, %and3A_239 : vector<16xi32>
      %gather3A_241 = tpu.vector_load_idx %arg7[%and3A_240] : memref<50192xi32, #tpu.memory_space<vmem>>[vector<16xi32>], vector<16xi32>,
      %shift_right_arithmetic3A_242 = arith.constant 24 : i32
      %shift_right_arithmetic3A_243 = vector.broadcast %shift_right_arithmetic3A_242 : i32 to vector<16xi32>
      %shift_right_arithmetic3A_244 = arith.shrsi %get3A_237, %shift_right_arithmetic3A_243 : vector<16xi32>
      %shift_right_arithmetic3A_245 = arith.shrsi %gather3A_241, %shift_right_arithmetic3A_244 : vector<16xi32>
      %shift_left3A_246 = arith.constant 16 : i32
      %shift_left3A_247 = vector.broadcast %shift_left3A_246 : i32 to vector<16xi32>
      %shift_left3A_248 = arith.shli %shift_right_arithmetic3A_245, %shift_left3A_247 : vector<16xi32>
      %bitcast3A_249 = vector.bitcast %shift_left3A_248 : vector<16xi32> to vector<16xf32>
      %add3A_250 = arith.addf %scan3A_181, %bitcast3A_249 : vector<16xf32>
      %get3A_251 = arith.index_cast %mul3A_191 : i32 to index
      %get3A_252 = arith.constant 64 : index
      %get3A_253 = tpu.vector_load %arg8[%get3A_251, %get3A_252] {strides = array<i32>} : memref<50x128xi32, #tpu.memory_space<vmem>>, vector<16xi32>,
      %and3A_254 = arith.constant 16777215 : i32
      %and3A_255 = vector.broadcast %and3A_254 : i32 to vector<16xi32>
      %and3A_256 = arith.andi %get3A_253, %and3A_255 : vector<16xi32>
      %gather3A_257 = tpu.vector_load_idx %arg7[%and3A_256] : memref<50192xi32, #tpu.memory_space<vmem>>[vector<16xi32>], vector<16xi32>,
      %shift_right_arithmetic3A_258 = arith.constant 24 : i32
      %shift_right_arithmetic3A_259 = vector.broadcast %shift_right_arithmetic3A_258 : i32 to vector<16xi32>
      %shift_right_arithmetic3A_260 = arith.shrsi %get3A_253, %shift_right_arithmetic3A_259 : vector<16xi32>
      %shift_right_arithmetic3A_261 = arith.shrsi %gather3A_257, %shift_right_arithmetic3A_260 : vector<16xi32>
      %shift_left3A_262 = arith.constant 16 : i32
      %shift_left3A_263 = vector.broadcast %shift_left3A_262 : i32 to vector<16xi32>
      %shift_left3A_264 = arith.shli %shift_right_arithmetic3A_261, %shift_left3A_263 : vector<16xi32>
      %bitcast3A_265 = vector.bitcast %shift_left3A_264 : vector<16xi32> to vector<16xf32>
      %add3A_266 = arith.addf %scan3A_182, %bitcast3A_265 : vector<16xf32>
      %get3A_267 = arith.index_cast %mul3A_191 : i32 to index
      %get3A_268 = arith.constant 80 : index
      %get3A_269 = tpu.vector_load %arg8[%get3A_267, %get3A_268] {strides = array<i32>} : memref<50x128xi32, #tpu.memory_space<vmem>>, vector<16xi32>,
      %and3A_270 = arith.constant 16777215 : i32
      %and3A_271 = vector.broadcast %and3A_270 : i32 to vector<16xi32>
      %and3A_272 = arith.andi %get3A_269, %and3A_271 : vector<16xi32>
      %gather3A_273 = tpu.vector_load_idx %arg7[%and3A_272] : memref<50192xi32, #tpu.memory_space<vmem>>[vector<16xi32>], vector<16xi32>,
      %shift_right_arithmetic3A_274 = arith.constant 24 : i32
      %shift_right_arithmetic3A_275 = vector.broadcast %shift_right_arithmetic3A_274 : i32 to vector<16xi32>
      %shift_right_arithmetic3A_276 = arith.shrsi %get3A_269, %shift_right_arithmetic3A_275 : vector<16xi32>
      %shift_right_arithmetic3A_277 = arith.shrsi %gather3A_273, %shift_right_arithmetic3A_276 : vector<16xi32>
      %shift_left3A_278 = arith.constant 16 : i32
      %shift_left3A_279 = vector.broadcast %shift_left3A_278 : i32 to vector<16xi32>
      %shift_left3A_280 = arith.shli %shift_right_arithmetic3A_277, %shift_left3A_279 : vector<16xi32>
      %bitcast3A_281 = vector.bitcast %shift_left3A_280 : vector<16xi32> to vector<16xf32>
      %add3A_282 = arith.addf %scan3A_183, %bitcast3A_281 : vector<16xf32>
      %get3A_283 = arith.index_cast %mul3A_191 : i32 to index
      %get3A_284 = arith.constant 96 : index
      %get3A_285 = tpu.vector_load %arg8[%get3A_283, %get3A_284] {strides = array<i32>} : memref<50x128xi32, #tpu.memory_space<vmem>>, vector<16xi32>,
      %and3A_286 = arith.constant 16777215 : i32
      %and3A_287 = vector.broadcast %and3A_286 : i32 to vector<16xi32>
      %and3A_288 = arith.andi %get3A_285, %and3A_287 : vector<16xi32>
      %gather3A_289 = tpu.vector_load_idx %arg7[%and3A_288] : memref<50192xi32, #tpu.memory_space<vmem>>[vector<16xi32>], vector<16xi32>,
      %shift_right_arithmetic3A_290 = arith.constant 24 : i32
      %shift_right_arithmetic3A_291 = vector.broadcast %shift_right_arithmetic3A_290 : i32 to vector<16xi32>
      %shift_right_arithmetic3A_292 = arith.shrsi %get3A_285, %shift_right_arithmetic3A_291 : vector<16xi32>
      %shift_right_arithmetic3A_293 = arith.shrsi %gather3A_289, %shift_right_arithmetic3A_292 : vector<16xi32>
      %shift_left3A_294 = arith.constant 16 : i32
      %shift_left3A_295 = vector.broadcast %shift_left3A_294 : i32 to vector<16xi32>
      %shift_left3A_296 = arith.shli %shift_right_arithmetic3A_293, %shift_left3A_295 : vector<16xi32>
      %bitcast3A_297 = vector.bitcast %shift_left3A_296 : vector<16xi32> to vector<16xf32>
      %add3A_298 = arith.addf %scan3A_184, %bitcast3A_297 : vector<16xf32>
      %get3A_299 = arith.index_cast %mul3A_191 : i32 to index
      %get3A_300 = arith.constant 112 : index
      %get3A_301 = tpu.vector_load %arg8[%get3A_299, %get3A_300] {strides = array<i32>} : memref<50x128xi32, #tpu.memory_space<vmem>>, vector<16xi32>,
      %and3A_302 = arith.constant 16777215 : i32
      %and3A_303 = vector.broadcast %and3A_302 : i32 to vector<16xi32>
      %and3A_304 = arith.andi %get3A_301, %and3A_303 : vector<16xi32>
      %gather3A_305 = tpu.vector_load_idx %arg7[%and3A_304] : memref<50192xi32, #tpu.memory_space<vmem>>[vector<16xi32>], vector<16xi32>,
      %shift_right_arithmetic3A_306 = arith.constant 24 : i32
      %shift_right_arithmetic3A_307 = vector.broadcast %shift_right_arithmetic3A_306 : i32 to vector<16xi32>
      %shift_right_arithmetic3A_308 = arith.shrsi %get3A_301, %shift_right_arithmetic3A_307 : vector<16xi32>
      %shift_right_arithmetic3A_309 = arith.shrsi %gather3A_305, %shift_right_arithmetic3A_308 : vector<16xi32>
      %shift_left3A_310 = arith.constant 16 : i32
      %shift_left3A_311 = vector.broadcast %shift_left3A_310 : i32 to vector<16xi32>
      %shift_left3A_312 = arith.shli %shift_right_arithmetic3A_309, %shift_left3A_311 : vector<16xi32>
      %bitcast3A_313 = vector.bitcast %shift_left3A_312 : vector<16xi32> to vector<16xf32>
      %add3A_314 = arith.addf %scan3A_185, %bitcast3A_313 : vector<16xf32>
      %get3A_315 = arith.index_cast %add3A_189 : i32 to index
      %get3A_316 = arith.constant 0 : index
      %get3A_317 = tpu.vector_load %arg8[%get3A_315, %get3A_316] {strides = array<i32>} : memref<50x128xi32, #tpu.memory_space<vmem>>, vector<16xi32>,
      %and3A_318 = arith.constant 16777215 : i32
      %and3A_319 = vector.broadcast %and3A_318 : i32 to vector<16xi32>
      %and3A_320 = arith.andi %get3A_317, %and3A_319 : vector<16xi32>
      %gather3A_321 = tpu.vector_load_idx %arg7[%and3A_320] : memref<50192xi32, #tpu.memory_space<vmem>>[vector<16xi32>], vector<16xi32>,
      %shift_right_arithmetic3A_322 = arith.constant 24 : i32
      %shift_right_arithmetic3A_323 = vector.broadcast %shift_right_arithmetic3A_322 : i32 to vector<16xi32>
      %shift_right_arithmetic3A_324 = arith.shrsi %get3A_317, %shift_right_arithmetic3A_323 : vector<16xi32>
      %shift_right_arithmetic3A_325 = arith.shrsi %gather3A_321, %shift_right_arithmetic3A_324 : vector<16xi32>
      %shift_left3A_326 = arith.constant 16 : i32
      %shift_left3A_327 = vector.broadcast %shift_left3A_326 : i32 to vector<16xi32>
      %shift_left3A_328 = arith.shli %shift_right_arithmetic3A_325, %shift_left3A_327 : vector<16xi32>
      %bitcast3A_329 = vector.bitcast %shift_left3A_328 : vector<16xi32> to vector<16xf32>
      %add3A_330 = arith.addf %add3A_202, %bitcast3A_329 : vector<16xf32>
      %get3A_331 = arith.index_cast %add3A_189 : i32 to index
      %get3A_332 = arith.constant 16 : index
      %get3A_333 = tpu.vector_load %arg8[%get3A_331, %get3A_332] {strides = array<i32>} : memref<50x128xi32, #tpu.memory_space<vmem>>, vector<16xi32>,
      %and3A_334 = arith.constant 16777215 : i32
      %and3A_335 = vector.broadcast %and3A_334 : i32 to vector<16xi32>
      %and3A_336 = arith.andi %get3A_333, %and3A_335 : vector<16xi32>
      %gather3A_337 = tpu.vector_load_idx %arg7[%and3A_336] : memref<50192xi32, #tpu.memory_space<vmem>>[vector<16xi32>], vector<16xi32>,
      %shift_right_arithmetic3A_338 = arith.constant 24 : i32
      %shift_right_arithmetic3A_339 = vector.broadcast %shift_right_arithmetic3A_338 : i32 to vector<16xi32>
      %shift_right_arithmetic3A_340 = arith.shrsi %get3A_333, %shift_right_arithmetic3A_339 : vector<16xi32>
      %shift_right_arithmetic3A_341 = arith.shrsi %gather3A_337, %shift_right_arithmetic3A_340 : vector<16xi32>
      %shift_left3A_342 = arith.constant 16 : i32
      %shift_left3A_343 = vector.broadcast %shift_left3A_342 : i32 to vector<16xi32>
      %shift_left3A_344 = arith.shli %shift_right_arithmetic3A_341, %shift_left3A_343 : vector<16xi32>
      %bitcast3A_345 = vector.bitcast %shift_left3A_344 : vector<16xi32> to vector<16xf32>
      %add3A_346 = arith.addf %add3A_218, %bitcast3A_345 : vector<16xf32>
      %get3A_347 = arith.index_cast %add3A_189 : i32 to index
      %get3A_348 = arith.constant 32 : index
      %get3A_349 = tpu.vector_load %arg8[%get3A_347, %get3A_348] {strides = array<i32>} : memref<50x128xi32, #tpu.memory_space<vmem>>, vector<16xi32>,
      %and3A_350 = arith.constant 16777215 : i32
      %and3A_351 = vector.broadcast %and3A_350 : i32 to vector<16xi32>
      %and3A_352 = arith.andi %get3A_349, %and3A_351 : vector<16xi32>
      %gather3A_353 = tpu.vector_load_idx %arg7[%and3A_352] : memref<50192xi32, #tpu.memory_space<vmem>>[vector<16xi32>], vector<16xi32>,
      %shift_right_arithmetic3A_354 = arith.constant 24 : i32
      %shift_right_arithmetic3A_355 = vector.broadcast %shift_right_arithmetic3A_354 : i32 to vector<16xi32>
      %shift_right_arithmetic3A_356 = arith.shrsi %get3A_349, %shift_right_arithmetic3A_355 : vector<16xi32>
      %shift_right_arithmetic3A_357 = arith.shrsi %gather3A_353, %shift_right_arithmetic3A_356 : vector<16xi32>
      %shift_left3A_358 = arith.constant 16 : i32
      %shift_left3A_359 = vector.broadcast %shift_left3A_358 : i32 to vector<16xi32>
      %shift_left3A_360 = arith.shli %shift_right_arithmetic3A_357, %shift_left3A_359 : vector<16xi32>
      %bitcast3A_361 = vector.bitcast %shift_left3A_360 : vector<16xi32> to vector<16xf32>
      %add3A_362 = arith.addf %add3A_234, %bitcast3A_361 : vector<16xf32>
      %get3A_363 = arith.index_cast %add3A_189 : i32 to index
      %get3A_364 = arith.constant 48 : index
      %get3A_365 = tpu.vector_load %arg8[%get3A_363, %get3A_364] {strides = array<i32>} : memref<50x128xi32, #tpu.memory_space<vmem>>, vector<16xi32>,
      %and3A_366 = arith.constant 16777215 : i32
      %and3A_367 = vector.broadcast %and3A_366 : i32 to vector<16xi32>
      %and3A_368 = arith.andi %get3A_365, %and3A_367 : vector<16xi32>
      %gather3A_369 = tpu.vector_load_idx %arg7[%and3A_368] : memref<50192xi32, #tpu.memory_space<vmem>>[vector<16xi32>], vector<16xi32>,
      %shift_right_arithmetic3A_370 = arith.constant 24 : i32
      %shift_right_arithmetic3A_371 = vector.broadcast %shift_right_arithmetic3A_370 : i32 to vector<16xi32>
      %shift_right_arithmetic3A_372 = arith.shrsi %get3A_365, %shift_right_arithmetic3A_371 : vector<16xi32>
      %shift_right_arithmetic3A_373 = arith.shrsi %gather3A_369, %shift_right_arithmetic3A_372 : vector<16xi32>
      %shift_left3A_374 = arith.constant 16 : i32
      %shift_left3A_375 = vector.broadcast %shift_left3A_374 : i32 to vector<16xi32>
      %shift_left3A_376 = arith.shli %shift_right_arithmetic3A_373, %shift_left3A_375 : vector<16xi32>
      %bitcast3A_377 = vector.bitcast %shift_left3A_376 : vector<16xi32> to vector<16xf32>
      %add3A_378 = arith.addf %add3A_250, %bitcast3A_377 : vector<16xf32>
      %get3A_379 = arith.index_cast %add3A_189 : i32 to index
      %get3A_380 = arith.constant 64 : index
      %get3A_381 = tpu.vector_load %arg8[%get3A_379, %get3A_380] {strides = array<i32>} : memref<50x128xi32, #tpu.memory_space<vmem>>, vector<16xi32>,
      %and3A_382 = arith.constant 16777215 : i32
      %and3A_383 = vector.broadcast %and3A_382 : i32 to vector<16xi32>
      %and3A_384 = arith.andi %get3A_381, %and3A_383 : vector<16xi32>
      %gather3A_385 = tpu.vector_load_idx %arg7[%and3A_384] : memref<50192xi32, #tpu.memory_space<vmem>>[vector<16xi32>], vector<16xi32>,
      %shift_right_arithmetic3A_386 = arith.constant 24 : i32
      %shift_right_arithmetic3A_387 = vector.broadcast %shift_right_arithmetic3A_386 : i32 to vector<16xi32>
      %shift_right_arithmetic3A_388 = arith.shrsi %get3A_381, %shift_right_arithmetic3A_387 : vector<16xi32>
      %shift_right_arithmetic3A_389 = arith.shrsi %gather3A_385, %shift_right_arithmetic3A_388 : vector<16xi32>
      %shift_left3A_390 = arith.constant 16 : i32
      %shift_left3A_391 = vector.broadcast %shift_left3A_390 : i32 to vector<16xi32>
      %shift_left3A_392 = arith.shli %shift_right_arithmetic3A_389, %shift_left3A_391 : vector<16xi32>
      %bitcast3A_393 = vector.bitcast %shift_left3A_392 : vector<16xi32> to vector<16xf32>
      %add3A_394 = arith.addf %add3A_266, %bitcast3A_393 : vector<16xf32>
      %get3A_395 = arith.index_cast %add3A_189 : i32 to index
      %get3A_396 = arith.constant 80 : index
      %get3A_397 = tpu.vector_load %arg8[%get3A_395, %get3A_396] {strides = array<i32>} : memref<50x128xi32, #tpu.memory_space<vmem>>, vector<16xi32>,
      %and3A_398 = arith.constant 16777215 : i32
      %and3A_399 = vector.broadcast %and3A_398 : i32 to vector<16xi32>
      %and3A_400 = arith.andi %get3A_397, %and3A_399 : vector<16xi32>
      %gather3A_401 = tpu.vector_load_idx %arg7[%and3A_400] : memref<50192xi32, #tpu.memory_space<vmem>>[vector<16xi32>], vector<16xi32>,
      %shift_right_arithmetic3A_402 = arith.constant 24 : i32
      %shift_right_arithmetic3A_403 = vector.broadcast %shift_right_arithmetic3A_402 : i32 to vector<16xi32>
      %shift_right_arithmetic3A_404 = arith.shrsi %get3A_397, %shift_right_arithmetic3A_403 : vector<16xi32>
      %shift_right_arithmetic3A_405 = arith.shrsi %gather3A_401, %shift_right_arithmetic3A_404 : vector<16xi32>
      %shift_left3A_406 = arith.constant 16 : i32
      %shift_left3A_407 = vector.broadcast %shift_left3A_406 : i32 to vector<16xi32>
      %shift_left3A_408 = arith.shli %shift_right_arithmetic3A_405, %shift_left3A_407 : vector<16xi32>
      %bitcast3A_409 = vector.bitcast %shift_left3A_408 : vector<16xi32> to vector<16xf32>
      %add3A_410 = arith.addf %add3A_282, %bitcast3A_409 : vector<16xf32>
      %get3A_411 = arith.index_cast %add3A_189 : i32 to index
      %get3A_412 = arith.constant 96 : index
      %get3A_413 = tpu.vector_load %arg8[%get3A_411, %get3A_412] {strides = array<i32>} : memref<50x128xi32, #tpu.memory_space<vmem>>, vector<16xi32>,
      %and3A_414 = arith.constant 16777215 : i32
      %and3A_415 = vector.broadcast %and3A_414 : i32 to vector<16xi32>
      %and3A_416 = arith.andi %get3A_413, %and3A_415 : vector<16xi32>
      %gather3A_417 = tpu.vector_load_idx %arg7[%and3A_416] : memref<50192xi32, #tpu.memory_space<vmem>>[vector<16xi32>], vector<16xi32>,
      %shift_right_arithmetic3A_418 = arith.constant 24 : i32
      %shift_right_arithmetic3A_419 = vector.broadcast %shift_right_arithmetic3A_418 : i32 to vector<16xi32>
      %shift_right_arithmetic3A_420 = arith.shrsi %get3A_413, %shift_right_arithmetic3A_419 : vector<16xi32>
      %shift_right_arithmetic3A_421 = arith.shrsi %gather3A_417, %shift_right_arithmetic3A_420 : vector<16xi32>
      %shift_left3A_422 = arith.constant 16 : i32
      %shift_left3A_423 = vector.broadcast %shift_left3A_422 : i32 to vector<16xi32>
      %shift_left3A_424 = arith.shli %shift_right_arithmetic3A_421, %shift_left3A_423 : vector<16xi32>
      %bitcast3A_425 = vector.bitcast %shift_left3A_424 : vector<16xi32> to vector<16xf32>
      %add3A_426 = arith.addf %add3A_298, %bitcast3A_425 : vector<16xf32>
      %get3A_427 = arith.index_cast %add3A_189 : i32 to index
      %get3A_428 = arith.constant 112 : index
      %get3A_429 = tpu.vector_load %arg8[%get3A_427, %get3A_428] {strides = array<i32>} : memref<50x128xi32, #tpu.memory_space<vmem>>, vector<16xi32>,
      %and3A_430 = arith.constant 16777215 : i32
      %and3A_431 = vector.broadcast %and3A_430 : i32 to vector<16xi32>
      %and3A_432 = arith.andi %get3A_429, %and3A_431 : vector<16xi32>
      %gather3A_433 = tpu.vector_load_idx %arg7[%and3A_432] : memref<50192xi32, #tpu.memory_space<vmem>>[vector<16xi32>], vector<16xi32>,
      %shift_right_arithmetic3A_434 = arith.constant 24 : i32
      %shift_right_arithmetic3A_435 = vector.broadcast %shift_right_arithmetic3A_434 : i32 to vector<16xi32>
      %shift_right_arithmetic3A_436 = arith.shrsi %get3A_429, %shift_right_arithmetic3A_435 : vector<16xi32>
      %shift_right_arithmetic3A_437 = arith.shrsi %gather3A_433, %shift_right_arithmetic3A_436 : vector<16xi32>
      %shift_left3A_438 = arith.constant 16 : i32
      %shift_left3A_439 = vector.broadcast %shift_left3A_438 : i32 to vector<16xi32>
      %shift_left3A_440 = arith.shli %shift_right_arithmetic3A_437, %shift_left3A_439 : vector<16xi32>
      %bitcast3A_441 = vector.bitcast %shift_left3A_440 : vector<16xi32> to vector<16xf32>
      %add3A_442 = arith.addf %add3A_314, %bitcast3A_441 : vector<16xf32>
      scf.yield %add3A_330, %add3A_346, %add3A_362, %add3A_378, %add3A_394, %add3A_410, %add3A_426, %add3A_442 : vector<16xf32>, vector<16xf32>, vector<16xf32>, vector<16xf32>, vector<16xf32>, vector<16xf32>, vector<16xf32>, vector<16xf32>
    }
    %scan3A_60 = arith.constant 25 : i32
    %convert_element_type3A = arith.sitofp %get3A_25 : vector<16xi32> to vector<16xf32>
    %div3A = arith.divf %scan3A_59#0, %convert_element_type3A : vector<16xf32>
    %add3A_61 = arith.addf %div3A, %get3A_23 : vector<16xf32>
    %neg3A = arith.constant 0.000000e+00 : f32
    %neg3A_62 = vector.broadcast %neg3A : f32 to vector<16xf32>
    %neg3A_63 = arith.subf %neg3A_62, %add3A_61 : vector<16xf32>
    %exp3A = math.exp %neg3A_63 : vector<16xf32>
    %add3A_64 = arith.constant 1.000000e+00 : f32
    %add3A_65 = vector.broadcast %add3A_64 : f32 to vector<16xf32>
    %add3A_66 = arith.addf %add3A_65, %exp3A : vector<16xf32>
    %div3A_67 = arith.constant 1.000000e+00 : f32
    %div3A_68 = vector.broadcast %div3A_67 : f32 to vector<16xf32>
    %div3A_69 = arith.divf %div3A_68, %add3A_66 : vector<16xf32>
    %swap3A_70 = arith.constant 0 : index
    %swap3A_71 = tpu.vector_load %arg11[%swap3A_70] {strides = array<i32>} : memref<128xf32, #tpu.memory_space<vmem>>, vector<16xf32>,
    tpu.vector_store %arg11[%swap3A_70], %div3A_69 {strides = array<i32>} : memref<128xf32, #tpu.memory_space<vmem>>, vector<16xf32>,
    %convert_element_type3A_72 = arith.sitofp %get3A_27 : vector<16xi32> to vector<16xf32>
    %div3A_73 = arith.divf %scan3A_59#1, %convert_element_type3A_72 : vector<16xf32>
    %add3A_74 = arith.addf %div3A_73, %get3A_23 : vector<16xf32>
    %neg3A_75 = arith.constant 0.000000e+00 : f32
    %neg3A_76 = vector.broadcast %neg3A_75 : f32 to vector<16xf32>
    %neg3A_77 = arith.subf %neg3A_76, %add3A_74 : vector<16xf32>
    %exp3A_78 = math.exp %neg3A_77 : vector<16xf32>
    %add3A_79 = arith.constant 1.000000e+00 : f32
    %add3A_80 = vector.broadcast %add3A_79 : f32 to vector<16xf32>
    %add3A_81 = arith.addf %add3A_80, %exp3A_78 : vector<16xf32>
    %div3A_82 = arith.constant 1.000000e+00 : f32
    %div3A_83 = vector.broadcast %div3A_82 : f32 to vector<16xf32>
    %div3A_84 = arith.divf %div3A_83, %add3A_81 : vector<16xf32>
    %swap3A_85 = arith.constant 16 : index
    %swap3A_86 = tpu.vector_load %arg11[%swap3A_85] {strides = array<i32>} : memref<128xf32, #tpu.memory_space<vmem>>, vector<16xf32>,
    tpu.vector_store %arg11[%swap3A_85], %div3A_84 {strides = array<i32>} : memref<128xf32, #tpu.memory_space<vmem>>, vector<16xf32>,
    %convert_element_type3A_87 = arith.sitofp %get3A_29 : vector<16xi32> to vector<16xf32>
    %div3A_88 = arith.divf %scan3A_59#2, %convert_element_type3A_87 : vector<16xf32>
    %add3A_89 = arith.addf %div3A_88, %get3A_23 : vector<16xf32>
    %neg3A_90 = arith.constant 0.000000e+00 : f32
    %neg3A_91 = vector.broadcast %neg3A_90 : f32 to vector<16xf32>
    %neg3A_92 = arith.subf %neg3A_91, %add3A_89 : vector<16xf32>
    %exp3A_93 = math.exp %neg3A_92 : vector<16xf32>
    %add3A_94 = arith.constant 1.000000e+00 : f32
    %add3A_95 = vector.broadcast %add3A_94 : f32 to vector<16xf32>
    %add3A_96 = arith.addf %add3A_95, %exp3A_93 : vector<16xf32>
    %div3A_97 = arith.constant 1.000000e+00 : f32
    %div3A_98 = vector.broadcast %div3A_97 : f32 to vector<16xf32>
    %div3A_99 = arith.divf %div3A_98, %add3A_96 : vector<16xf32>
    %swap3A_100 = arith.constant 32 : index
    %swap3A_101 = tpu.vector_load %arg11[%swap3A_100] {strides = array<i32>} : memref<128xf32, #tpu.memory_space<vmem>>, vector<16xf32>,
    tpu.vector_store %arg11[%swap3A_100], %div3A_99 {strides = array<i32>} : memref<128xf32, #tpu.memory_space<vmem>>, vector<16xf32>,
    %convert_element_type3A_102 = arith.sitofp %get3A_31 : vector<16xi32> to vector<16xf32>
    %div3A_103 = arith.divf %scan3A_59#3, %convert_element_type3A_102 : vector<16xf32>
    %add3A_104 = arith.addf %div3A_103, %get3A_23 : vector<16xf32>
    %neg3A_105 = arith.constant 0.000000e+00 : f32
    %neg3A_106 = vector.broadcast %neg3A_105 : f32 to vector<16xf32>
    %neg3A_107 = arith.subf %neg3A_106, %add3A_104 : vector<16xf32>
    %exp3A_108 = math.exp %neg3A_107 : vector<16xf32>
    %add3A_109 = arith.constant 1.000000e+00 : f32
    %add3A_110 = vector.broadcast %add3A_109 : f32 to vector<16xf32>
    %add3A_111 = arith.addf %add3A_110, %exp3A_108 : vector<16xf32>
    %div3A_112 = arith.constant 1.000000e+00 : f32
    %div3A_113 = vector.broadcast %div3A_112 : f32 to vector<16xf32>
    %div3A_114 = arith.divf %div3A_113, %add3A_111 : vector<16xf32>
    %swap3A_115 = arith.constant 48 : index
    %swap3A_116 = tpu.vector_load %arg11[%swap3A_115] {strides = array<i32>} : memref<128xf32, #tpu.memory_space<vmem>>, vector<16xf32>,
    tpu.vector_store %arg11[%swap3A_115], %div3A_114 {strides = array<i32>} : memref<128xf32, #tpu.memory_space<vmem>>, vector<16xf32>,
    %convert_element_type3A_117 = arith.sitofp %get3A_33 : vector<16xi32> to vector<16xf32>
    %div3A_118 = arith.divf %scan3A_59#4, %convert_element_type3A_117 : vector<16xf32>
    %add3A_119 = arith.addf %div3A_118, %get3A_23 : vector<16xf32>
    %neg3A_120 = arith.constant 0.000000e+00 : f32
    %neg3A_121 = vector.broadcast %neg3A_120 : f32 to vector<16xf32>
    %neg3A_122 = arith.subf %neg3A_121, %add3A_119 : vector<16xf32>
    %exp3A_123 = math.exp %neg3A_122 : vector<16xf32>
    %add3A_124 = arith.constant 1.000000e+00 : f32
    %add3A_125 = vector.broadcast %add3A_124 : f32 to vector<16xf32>
    %add3A_126 = arith.addf %add3A_125, %exp3A_123 : vector<16xf32>
    %div3A_127 = arith.constant 1.000000e+00 : f32
    %div3A_128 = vector.broadcast %div3A_127 : f32 to vector<16xf32>
    %div3A_129 = arith.divf %div3A_128, %add3A_126 : vector<16xf32>
    %swap3A_130 = arith.constant 64 : index
    %swap3A_131 = tpu.vector_load %arg11[%swap3A_130] {strides = array<i32>} : memref<128xf32, #tpu.memory_space<vmem>>, vector<16xf32>,
    tpu.vector_store %arg11[%swap3A_130], %div3A_129 {strides = array<i32>} : memref<128xf32, #tpu.memory_space<vmem>>, vector<16xf32>,
    %convert_element_type3A_132 = arith.sitofp %get3A_35 : vector<16xi32> to vector<16xf32>
    %div3A_133 = arith.divf %scan3A_59#5, %convert_element_type3A_132 : vector<16xf32>
    %add3A_134 = arith.addf %div3A_133, %get3A_23 : vector<16xf32>
    %neg3A_135 = arith.constant 0.000000e+00 : f32
    %neg3A_136 = vector.broadcast %neg3A_135 : f32 to vector<16xf32>
    %neg3A_137 = arith.subf %neg3A_136, %add3A_134 : vector<16xf32>
    %exp3A_138 = math.exp %neg3A_137 : vector<16xf32>
    %add3A_139 = arith.constant 1.000000e+00 : f32
    %add3A_140 = vector.broadcast %add3A_139 : f32 to vector<16xf32>
    %add3A_141 = arith.addf %add3A_140, %exp3A_138 : vector<16xf32>
    %div3A_142 = arith.constant 1.000000e+00 : f32
    %div3A_143 = vector.broadcast %div3A_142 : f32 to vector<16xf32>
    %div3A_144 = arith.divf %div3A_143, %add3A_141 : vector<16xf32>
    %swap3A_145 = arith.constant 80 : index
    %swap3A_146 = tpu.vector_load %arg11[%swap3A_145] {strides = array<i32>} : memref<128xf32, #tpu.memory_space<vmem>>, vector<16xf32>,
    tpu.vector_store %arg11[%swap3A_145], %div3A_144 {strides = array<i32>} : memref<128xf32, #tpu.memory_space<vmem>>, vector<16xf32>,
    %convert_element_type3A_147 = arith.sitofp %get3A_37 : vector<16xi32> to vector<16xf32>
    %div3A_148 = arith.divf %scan3A_59#6, %convert_element_type3A_147 : vector<16xf32>
    %add3A_149 = arith.addf %div3A_148, %get3A_23 : vector<16xf32>
    %neg3A_150 = arith.constant 0.000000e+00 : f32
    %neg3A_151 = vector.broadcast %neg3A_150 : f32 to vector<16xf32>
    %neg3A_152 = arith.subf %neg3A_151, %add3A_149 : vector<16xf32>
    %exp3A_153 = math.exp %neg3A_152 : vector<16xf32>
    %add3A_154 = arith.constant 1.000000e+00 : f32
    %add3A_155 = vector.broadcast %add3A_154 : f32 to vector<16xf32>
    %add3A_156 = arith.addf %add3A_155, %exp3A_153 : vector<16xf32>
    %div3A_157 = arith.constant 1.000000e+00 : f32
    %div3A_158 = vector.broadcast %div3A_157 : f32 to vector<16xf32>
    %div3A_159 = arith.divf %div3A_158, %add3A_156 : vector<16xf32>
    %swap3A_160 = arith.constant 96 : index
    %swap3A_161 = tpu.vector_load %arg11[%swap3A_160] {strides = array<i32>} : memref<128xf32, #tpu.memory_space<vmem>>, vector<16xf32>,
    tpu.vector_store %arg11[%swap3A_160], %div3A_159 {strides = array<i32>} : memref<128xf32, #tpu.memory_space<vmem>>, vector<16xf32>,
    %convert_element_type3A_162 = arith.sitofp %get3A_39 : vector<16xi32> to vector<16xf32>
    %div3A_163 = arith.divf %scan3A_59#7, %convert_element_type3A_162 : vector<16xf32>
    %add3A_164 = arith.addf %div3A_163, %get3A_23 : vector<16xf32>
    %neg3A_165 = arith.constant 0.000000e+00 : f32
    %neg3A_166 = vector.broadcast %neg3A_165 : f32 to vector<16xf32>
    %neg3A_167 = arith.subf %neg3A_166, %add3A_164 : vector<16xf32>
    %exp3A_168 = math.exp %neg3A_167 : vector<16xf32>
    %add3A_169 = arith.constant 1.000000e+00 : f32
    %add3A_170 = vector.broadcast %add3A_169 : f32 to vector<16xf32>
    %add3A_171 = arith.addf %add3A_170, %exp3A_168 : vector<16xf32>
    %div3A_172 = arith.constant 1.000000e+00 : f32
    %div3A_173 = vector.broadcast %div3A_172 : f32 to vector<16xf32>
    %div3A_174 = arith.divf %div3A_173, %add3A_171 : vector<16xf32>
    %swap3A_175 = arith.constant 112 : index
    %swap3A_176 = tpu.vector_load %arg11[%swap3A_175] {strides = array<i32>} : memref<128xf32, #tpu.memory_space<vmem>>, vector<16xf32>,
    tpu.vector_store %arg11[%swap3A_175], %div3A_174 {strides = array<i32>} : memref<128xf32, #tpu.memory_space<vmem>>, vector<16xf32>,
    "tpu.region"() ({
      %run_scoped3A = tpu.sem_alloc : memref<!tpu.dma_semaphore, #tpu.memory_space<semaphore_mem>>
      %dma_start3A_177 = tpu.memref_slice %arg6[%mul3A_2] : memref<4096xf32, #tpu.memory_space<hbm>> -> memref<128xf32, #tpu.memory_space<hbm>>
      %dma_start3A_178 = tpu.memref_slice %arg6[%mul3A_2] : memref<4096xf32, #tpu.memory_space<hbm>> -> memref<128xf32, #tpu.memory_space<hbm>>
      tpu.enqueue_dma source(%arg11 : memref<128xf32, #tpu.memory_space<vmem>>) target(%dma_start3A_178 : memref<128xf32, #tpu.memory_space<hbm>>) target_semaphore(%run_scoped3A : memref<!tpu.dma_semaphore, #tpu.memory_space<semaphore_mem>>)
      %dma_wait3A_179 = tpu.memref_slice %arg6[%mul3A_2] : memref<4096xf32, #tpu.memory_space<hbm>> -> memref<128xf32, #tpu.memory_space<hbm>>
      %dma_wait3A_180 = tpu.memref_slice %arg6[%mul3A_2] : memref<4096xf32, #tpu.memory_space<hbm>> -> memref<128xf32, #tpu.memory_space<hbm>>
      tpu.wait_dma2 semaphore(%run_scoped3A : memref<!tpu.dma_semaphore, #tpu.memory_space<semaphore_mem>>) src(%arg11 : memref<128xf32, #tpu.memory_space<vmem>>) dst(%dma_wait3A_180 : memref<128xf32, #tpu.memory_space<hbm>>)
      tpu.yield
    }) : () -> ()
    return
  }
}

module attributes {stable_mosaic.version = 14 : i64} {
  func.func @_tc_matvec_body(%arg0: i32, %arg1: memref<64x7168xf32, #tpu.memory_space<vmem>>, %arg2: memref<64x7168xf32, #tpu.memory_space<vmem>>, %arg3: memref<1x64xf32, #tpu.memory_space<vmem>>, %arg4: memref<56x128xi32, #tpu.memory_space<vmem>>) attributes {dimension_semantics = [#tpu.dimension_semantics<arbitrary>], iteration_bounds = array<i64: 7>, scalar_prefetch = 0 : i64, scratch_operands = 0 : i64, tpu.core_type = #tpu.core_type<tc>, window_params = [{transform_indices = @transform_0, window_bounds = array<i64: 64, 7168>}, {transform_indices = @transform_1, window_bounds = array<i64: 64, 7168>}, {pipeline_mode = #tpu.pipeline_mode<synchronous>, transform_indices = @transform_2, window_bounds = array<i64: 1, 64>}, {transform_indices = @transform_3, window_bounds = array<i64: 56, 128>}]} {
    %get3A = arith.constant 0 : index
    %get3A_0 = arith.constant 0 : index
    %get3A_1 = vector.load %arg3[%get3A, %get3A_0] : memref<1x64xf32, #tpu.memory_space<vmem>>, vector<1x64xf32>
    %get3A_2 = arith.constant 0 : index
    %get3A_3 = arith.constant 0 : index
    %get3A_4 = vector.load %arg1[%get3A_2, %get3A_3] : memref<64x7168xf32, #tpu.memory_space<vmem>>, vector<64x7168xf32>
    %dot_general3A = arith.constant dense<0.000000e+00> : vector<1x7168xf32>
    %dot_general3A_5 = tpu.matmul %get3A_1, %get3A_4, %dot_general3A {dimension_numbers = #tpu.dot_dimension_numbers<[1], [0], [0], [1], [0, 0, 1, 1], [], []>, transpose_lhs_hint = false} : vector<1x64xf32>, vector<64x7168xf32>, vector<1x7168xf32> -> vector<1x7168xf32>
    %get3A_6 = arith.constant 0 : index
    %get3A_7 = arith.constant 0 : index
    %get3A_8 = vector.load %arg2[%get3A_6, %get3A_7] : memref<64x7168xf32, #tpu.memory_space<vmem>>, vector<64x7168xf32>
    %dot_general3A_9 = arith.constant dense<0.000000e+00> : vector<1x7168xf32>
    %dot_general3A_10 = tpu.matmul %get3A_1, %get3A_8, %dot_general3A_9 {dimension_numbers = #tpu.dot_dimension_numbers<[1], [0], [0], [1], [0, 0, 1, 1], [], []>, transpose_lhs_hint = false} : vector<1x64xf32>, vector<64x7168xf32>, vector<1x7168xf32> -> vector<1x7168xf32>
    %convert_element_type3A = arith.truncf %dot_general3A_5 : vector<1x7168xf32> to vector<1x7168xbf16>
    %bitcast_convert_type3A = tpu.bitcast %convert_element_type3A : vector<1x7168xbf16> -> vector<1x7168xi16>
    %convert_element_type3A_11 = arith.extui %bitcast_convert_type3A : vector<1x7168xi16> to vector<1x7168xi32>
    %convert_element_type3A_12 = arith.truncf %dot_general3A_10 : vector<1x7168xf32> to vector<1x7168xbf16>
    %bitcast_convert_type3A_13 = tpu.bitcast %convert_element_type3A_12 : vector<1x7168xbf16> -> vector<1x7168xi16>
    %convert_element_type3A_14 = arith.extui %bitcast_convert_type3A_13 : vector<1x7168xi16> to vector<1x7168xi32>
    %shift_left3A = arith.constant 16 : i32
    %shift_left3A_15 = vector.broadcast %shift_left3A : i32 to vector<1x7168xi32>
    %shift_left3A_16 = arith.shli %convert_element_type3A_14, %shift_left3A_15 : vector<1x7168xi32>
    %or3A = arith.ori %convert_element_type3A_11, %shift_left3A_16 : vector<1x7168xi32>
    %bitcast_convert_type3A_17 = tpu.bitcast %or3A : vector<1x7168xi32> -> vector<1x7168xi32>
    %reshape3A = vector.shape_cast %bitcast_convert_type3A_17 : vector<1x7168xi32> to vector<56x128xi32>
    %swap3A = arith.constant 0 : index
    %swap3A_18 = arith.constant 0 : index
    %swap3A_19 = vector.load %arg4[%swap3A, %swap3A_18] : memref<56x128xi32, #tpu.memory_space<vmem>>, vector<56x128xi32>
    tpu.vector_store %arg4[%swap3A, %swap3A_18], %reshape3A {strides = array<i32>} : memref<56x128xi32, #tpu.memory_space<vmem>>, vector<56x128xi32>,
    return
  }
  func.func @transform_0(%arg0: i32) -> (i32, i32) {
    %c0_i32 = arith.constant 0 : i32
    %c0_i32_0 = arith.constant 0 : i32
    return %c0_i32, %arg0 : i32, i32
  }
  func.func @transform_1(%arg0: i32) -> (i32, i32) {
    %add3A = arith.constant 7 : i32
    %add3A_0 = arith.addi %arg0, %add3A : i32
    %c0_i32 = arith.constant 0 : i32
    %c0_i32_1 = arith.constant 0 : i32
    return %c0_i32, %add3A_0 : i32, i32
  }
  func.func @transform_2(%arg0: i32) -> (i32, i32) {
    %c0_i32 = arith.constant 0 : i32
    %c0_i32_0 = arith.constant 0 : i32
    %c0_i32_1 = arith.constant 0 : i32
    return %c0_i32, %c0_i32_0 : i32, i32
  }
  func.func @transform_3(%arg0: i32) -> (i32, i32) {
    %c0_i32 = arith.constant 0 : i32
    %c0_i32_0 = arith.constant 0 : i32
    return %arg0, %c0_i32 : i32, i32
  }
}

</mosaic_0001>

<sc_bundles>
// kernel: kernel.4.cloned.1.call-start
scs
__scs_entry_jumppad:
0x0: {  	(pc) =	sbr.rel $0x88, $3  }
0x1: {  	(tag) =	ssettag $0x0;
	lr =	simm.s32 $0x1  }
0x2: {  	[smem:$0x3F9C] =	sst lr;
	_ =	strace $0xD0000000  }
0x3: {  	_ = 	snop  }
0x4: {  	_ = 	snop  }
0x5: {  	_ = 	snop  }
0x6: {  	_ = 	snop  }
0x7: {  	_ = 	snop  }
__scs_overlays_trampoline_lowered:
0x8: {  	[smem:$0x3FAB] =	sst s0  }
0x9: {  	[smem:$0x3FAC] =	sst s1  }
0xa: {  	[smem:$0x3FAD] =	sst s2  }
0xb: {  	[smem:$0x3FAE] =	sst s3  }
0xc: {  	[smem:$0x3FAF] =	sst s4  }
0xd: {  	[smem:$0x3FB0] =	sst s5  }
0xe: {  	[smem:$0x3FB1] =	sst s6  }
0xf: {  	[smem:$0x3FB2] =	sst s7  }
0x10: {  	[smem:$0x3FB3] =	sst s8  }
0x11: {  	[smem:$0x3FB4] =	sst s9;
	s0 =	simm.s32 @!p0 $0x0  }
0x12: {  	s1 =	sld [smem:$0x3F9A];
	s0 =	simm.s32 @p0 $0x1  }
0x13: {  	[smem:$0x3FB5] =	sst s0;
	s0 =	simm.s32 @!p1 $0x0  }
0x14: {  	s2 =	sld [smem:$0x3F99];
	s0 =	simm.s32 @p1 $0x1  }
0x15: {  	[smem:$0x3FB6] =	sst s0;
	s0 =	simm.s32 @!p2 $0x0  }
0x16: {  	s3 =	sld [smem:$0x3FDB];
	s0 =	simm.s32 @p2 $0x1  }
0x17: {  	s4 =	simm.s32 $0x1BF5;
	[smem:$0x3FB8] =	sst s0  }
0x18: {  	s0 =	sld [smem:$0x3F9B];
	_ =	swait.ge [sflag:s4], $0x0  }
0x19: {  	s7 =	sld [smem:$0x3F9C]  }
0x1a: {  	s8 =	sadd.s32 $0xFFFFE003, lr  }
0x1b: {  	s9 =	sadd.s32 $0xFFFFFEF7, lr;
	s5 =	simm.s32 $0xFFFFFFFF;
	p2 =	slt.u32 s8, $0xFFFFF086  }
0x1c: {  	p1 =	slt.u32 s9, $0xF7A;
	s5 =	simm.s32 @!p2 $0x0  }
0x1d: {  	s5 =	simm.s32 @p1 $0x1;
	p0 =	seq.s32 s7, s2  }
0x1e: {  	s7 =	smul.u32 @!p0 $0xF7A, s2;
	p2 =	seq.s32 @!p0 s5, $0x0  }
0x1f: {  	s9 =	smul.u32 $0xF7A, s1;
	s8 =	simm.s32 @!p0 $0x1BF5;
	p2 =	por !p2, p0  }
0x20: {  	[sflag:s8] =	ssyncset.s32 @!p0 $0xFFFFF086;
	s6 =	sadd.s32 @!p0 s3, s7;
	s7 =	simm.s32 @!p0 $0x108  }
0x21: {  	s3 =	sadd.s32 s3, s9;
	s6 =	sadd.s32 @!p0 $0x88, s6;
	s7 =	simm.s32 @p2 $0x1082  }
0x22: {  	[simem:s7], [sflag:s8] =	dma.local @!p0 [hbm:s6], $0xF7A  }
0x23: {  	s9 =	sor.u32 $0xD0000000, s2;
	s6 =	simm.s32 $0x108;
	_ =	swait.ge @!p0 [sflag:s8], $0x0  }
0x24: {  	s3 =	sadd.s32 $0x88, s3;
	s6 =	simm.s32 @!p1 $0x1082;
	[sflag:s4] =	ssyncset.s32 $0xFFFFF086  }
0x25: {  	[simem:s6], [sflag:s4] =	dma.local [hbm:s3], $0xF7A  }
0x26: {  	[smem:$0x3F9C] =	sst s1;
	(tag) =	ssettag s2;
	_ =	strace s9  }
0x27: {  	s1 =	sld [smem:$0x3FAC]  }
0x28: {  	s2 =	sld [smem:$0x3FAD]  }
0x29: {  	s4 =	sld [smem:$0x3FAF]  }
0x2a: {  	p0 =	seq.s32 s5, $0x0;
	s5 =	sld [smem:$0x3FB0]  }
0x2b: {  	s6 =	sld [smem:$0x3FB1]  }
0x2c: {  	s7 =	sld [smem:$0x3FB2]  }
0x2d: {  	s3 =	simm.s32 $0x108;
	s8 =	sld [smem:$0x3FB3]  }
0x2e: {  	s3 =	simm.s32 @!p0 $0x1082;
	s9 =	sld [smem:$0x3FB4]  }
0x2f: {  	lr =	sadd.s32 s0, s3;
	s0 =	sld [smem:$0x3FAB]  }
0x30: {  	s3 =	sld [smem:$0x3FAE]  }
0x31: {  	[smem:$0x3FB7] =	sst s10  }
0x32: {  	s10 =	sld [smem:$0x3FB5];
	_ =	sdelay $0x3  }
0x33: {  	p0 =	seq.s32 s10, $0x1;
	s10 =	sld [smem:$0x3FB7];
	_ =	sdelay $0x3  }
0x34: {  	[smem:$0x3FB7] =	sst s10  }
0x35: {  	s10 =	sld [smem:$0x3FB6];
	_ =	sdelay $0x3  }
0x36: {  	p1 =	seq.s32 s10, $0x1;
	s10 =	sld [smem:$0x3FB7];
	_ =	sdelay $0x3  }
0x37: {  	[smem:$0x3FB7] =	sst s10  }
0x38: {  	s10 =	sld [smem:$0x3FB8]  }
0x39: {  	_ = 	snop;
	(pc) =	sbr.ind lr, $3  }
0x3a: {  	_ = 	snop  }
0x3b: {  	_ = 	snop  }
0x3c: {  	p2 =	seq.s32 s10, $0x1;
	s10 =	sld [smem:$0x3FB7]  }
0x3d: {  	_ =	shalt  }
0x3e: {  	_ =	shalt  }
0x3f: {  	_ =	shalt  }
0x40: {  	_ =	shalt  }
0x41: {  	_ =	shalt  }
0x42: {  	_ =	shalt  }
0x43: {  	_ =	shalt  }
0x44: {  	_ =	shalt  }
0x45: {  	_ =	shalt  }
0x46: {  	_ =	shalt  }
0x47: {  	_ =	shalt  }
0x48: {  	_ =	shalt  }
0x49: {  	_ =	shalt  }
0x4a: {  	_ =	shalt  }
0x4b: {  	_ =	shalt  }
0x4c: {  	_ =	shalt  }
0x4d: {  	_ =	shalt  }
0x4e: {  	_ =	shalt  }
0x4f: {  	_ =	shalt  }
0x50: {  	_ =	shalt  }
0x51: {  	_ =	shalt  }
0x52: {  	_ =	shalt  }
0x53: {  	_ =	shalt  }
0x54: {  	_ =	shalt  }
0x55: {  	_ =	shalt  }
0x56: {  	_ =	shalt  }
0x57: {  	_ =	shalt  }
0x58: {  	_ =	shalt  }
0x59: {  	_ =	shalt  }
0x5a: {  	_ =	shalt  }
0x5b: {  	_ =	shalt  }
0x5c: {  	_ =	shalt  }
0x5d: {  	_ =	shalt  }
0x5e: {  	_ =	shalt  }
0x5f: {  	_ =	shalt  }
0x60: {  	_ =	shalt  }
0x61: {  	_ =	shalt  }
0x62: {  	_ =	shalt  }
0x63: {  	_ =	shalt  }
0x64: {  	_ =	shalt  }
0x65: {  	_ =	shalt  }
0x66: {  	_ =	shalt  }
0x67: {  	_ =	shalt  }
0x68: {  	_ =	shalt  }
0x69: {  	_ =	shalt  }
0x6a: {  	_ =	shalt  }
0x6b: {  	_ =	shalt  }
0x6c: {  	_ =	shalt  }
0x6d: {  	_ =	shalt  }
0x6e: {  	_ =	shalt  }
0x6f: {  	_ =	shalt  }
0x70: {  	_ =	shalt  }
0x71: {  	_ =	shalt  }
0x72: {  	_ =	shalt  }
0x73: {  	_ =	shalt  }
0x74: {  	_ =	shalt  }
0x75: {  	_ =	shalt  }
0x76: {  	_ =	shalt  }
0x77: {  	_ =	shalt  }
0x78: {  	_ =	shalt  }
0x79: {  	_ =	shalt  }
0x7a: {  	_ =	shalt  }
0x7b: {  	_ =	shalt  }
0x7c: {  	_ =	shalt  }
0x7d: {  	_ =	shalt  }
0x7e: {  	_ =	shalt  }
0x7f: {  	_ =	shalt  }
0x80: {  	_ =	shalt  }
0x81: {  	_ =	shalt  }
0x82: {  	_ =	shalt  }
0x83: {  	_ =	shalt  }
0x84: {  	_ =	shalt  }
0x85: {  	_ =	shalt  }
0x86: {  	_ =	shalt  }
0x87: {  	_ =	shalt  }
.Lfunc_end0:
.L_simem_size_0:
called_computation_lowered:
.L_overlay_start_0:
0x88: {  	s2 =	sld [smem:$0x3FD9]  }
0x89: {  	s3 =	sld [smem:$0x3FFE];
	_ =	sdelay $0x1  }
0x8a: {  	s1 =	srdreg.scid  }
0x8b: {  	s0 =	sand.u32 $0x1, s1  }
0x8c: {  	s17 =	sshll.u32 s0, $0xA;
	s2 =	sadd.s32 s3, s2  }
0x8d: {  	s2 =	sadd.s32 s2, s17  }
0x8e: {  	[smem:$0x3FC3] =	sst s2  }
0x8f: {  	_ = 	snop  }
0x90: {  	s2 =	sld [smem:$0x3FC8]  }
0x91: {  	s18 =	sld [smem:$0x3FD0];
	(tm) =	ssettm $0x1  }
0x92: {  	s4 =	sld [smem:$0x3FFB];
	_ =	sdelay $0x3  }
0x93: {  	_ =	strace s4  }
0x94: {  	s4 =	sld [smem:$0x3FFC];
	_ =	sdelay $0x3  }
0x95: {  	_ =	strace s4  }
0x96: {  	s4 =	sld [smem:$0x3FFD];
	_ =	sdelay $0x3  }
0x97: {  	_ =	strace s4  }
0x98: {  	_ =	strace $0x8FFFFFFF  }
0x99: {  	s19 =	sld [smem:$0x3FDB];
	_ =	sdelay $0x1  }
0x9a: {  	s5 =	simm.s32 $_scs_section_size  }
0x9b: {  	s6 =	simm.s32 $_size__tile_overlayer_lowered;
	s7 =	simm.s32 $_tile_overlayer_lowered  }
0x9c: {  	s22 =	simm.s32 $0x1BFF;
	s21 =	sshll.u32 s7, $0x1;
	s4 =	sadd.s32 s5, s19  }
0x9d: {  	s8 =	simm.s32 $0x0;
	s20 =	sshll.u32 s6, $0x1;
	s6 =	sadd.s32 s21, s4  }
0x9e: {  	[timem:s8], [sflag:s22] =	dma.local [hbm:s6], s20  }
0x9f: {  	_ =	swait.ge [sflag:s22], s20  }
0xa0: {  	s5 =	ssub.s32 $0x0, s20;
	[sflag:s22] =	ssyncset.done $0x0  }
0xa1: {  	[sflag:s22] =	ssyncadd.s32 s5;
	_ =	sdelay $0x1  }
0xa2: {  	s23 =	simm.s32 $0x1B8B  }
0xa3: {  	_ =	swait.ge [sflag:s23], $0x1  }
0xa4: {  	[sflag:s23] =	ssyncset.done $0x0  }
0xa5: {  	s25 =	simm.s32 $0x1B8E;
	s24 =	sld [smem:$0x3FFE];
	[sflag:s23] =	ssyncadd.s32 $0xFFFFFFFF  }
0xa6: {  	s26 =	simm.s32 $execute0_lowered;
	[smem:$0x3FD2] =	sst s25  }
0xa7: {  	s6 =	sshll.u32 s26, $0x1;
	_ =	strace $0x80000046;
	[dreg:$0x1] =	wrdreg $0xFFFFFFFF  }
0xa8: {  	s28 =	simm.s32 $_size_execute0_lowered;
	s4 =	sadd.s32 s4, s6;
	[dreg:$0x0] =	wrdreg $0x0  }
0xa9: {  	s6 =	sshll.u32 s28, $0x1;
	[dreg:$0x2] =	wrdreg s4  }
0xaa: {  	[dreg:$0x3] =	wrdreg s6  }
0xab: {  	[dreg:$0x4] =	wrdreg $0xC0  }
0xac: {  	_ =	task [dreg:s8], $0x5FFFF  }
0xad: {  	[dreg:$0x1] =	wrdreg $0xFFFFFFFF  }
0xae: {  	[dreg:$0x0] =	wrdreg $0x60  }
0xaf: {  	[dreg:$0x2] =	wrdreg s24  }
0xb0: {  	[dreg:$0x3] =	wrdreg s2  }
0xb1: {  	[dreg:$0x4] =	wrdreg s18  }
0xb2: {  	[dreg:$0x5] =	wrdreg $0x9  }
0xb3: {  	_ =	task.clear_ibuf [dreg:s8], $0x6FFFF;
	_ =	strace $0x90000046  }
0xb4: {  	s29 =	simm.s32 $0x9;
	_ =	strace $0x80000048  }
0xb5: {  	_ =	swait.ge [sflag:s29], $0x1  }
0xb6: {  	[sflag:s29] =	ssyncadd.s32 $0xFFFFFFFF  }
0xb7: {  	_ =	strace $0x90000048  }
0xb8: {  	_ =	sfence  }
0xb9: {  	s30 =	sld [smem:$0x0];
	_ =	sdelay $0x2  }
0xba: {  	s31 =	sshll.u32 s1, $0xD;
	s1 =	sshrl.u32 s1, $0x2  }
0xbb: {  	s3 =	sand.u32 $0x4000, s31;
	s1 =	sadd.s32 s1, s30  }
0xbc: {  	s0 =	sor.u32 s3, s0;
	s1 =	sshll.u32 s1, $0x11  }
0xbd: {  	s0 =	sor.u32 s1, s0  }
0xbe: {  	s0 =	sadd.s32 $0x8F2B, s0  }
0xbf: {  	[sflag:s0] =	ssyncadd.remote.s32 $0x1  }
0xc0: {  	_ =	sfence.sel $0xFFFF  }
0xc1: {  	[dreg:$0x0] =	wrdreg $0xFFFFFFFF;
	(pc) =	sbr.abs _section_cstart, $3  }
0xc2: {  	[dreg:$0x1] =	wrdreg $0xFFFFFFFF  }
0xc3: {  	_ =	task.clear_ibuf [dreg:s8], $0x2FFFF;
	_ =	strace $0x9FFFFFFF  }
0xc4: {  	(tm) =	ssettm $0x7FFFFFFF  }
0xc5: {  	_ =	shalt  }
tec
execute0_lowered:
.L_overlay_start_1:
0x0: {  	(tag) =	ssettag $0x1  }
0x1: {  	s4 =	rddreg [dreg:$0x0]  }
0x2: {  	s7 =	rddreg [dreg:$0x1]  }
0x3: {  	s8 =	rddreg [dreg:$0x2]  }
0x4: {  	s0 =	rddreg [dreg:$0x3];
	s3 =	srdreg.scid  }
0x5: {  	s1 =	stileid.u32;
	s2 =	simm.s32 $0x0;
	s11 =	simm.s32 $0x8000  }
0x6: {  	s12 =	simm.s32 $0xC480;
	s13 =	simm.s32 $0xDC80;
	s14 =	simm.s32 $0xE080  }
0x7: {  	s15 =	simm.s32 $0xE100;
	s16 =	simm.s32 $0x2;
	s17 =	simm.s32 $0x3  }
0x8: {  	s18 =	simm.s32 $0x4;
	s19 =	simm.s32 $0x1;
	s20 =	simm.s32 $0xE180  }
0x9: {  	s21 =	simm.s32 $0x5;
	s3 =	sand.u32 $0x1, s3;
	s5 =	sshll.u32 s1, $0x1  }
0xa: {  	s22 =	simm.s32 $0x0;
	[smem:$0x7FF] =	sst s2;
	s5 =	sor.u32 s3, s5  }
0xb: {  	_ =	strace $0x80000047;
	s9 =	ssub.s32 $0x2, s3;
	s3 =	sadd.s32 $0xC00, s4  }
0xc: {  	s6 =	sshll.u32 s5, $0x7;
	s10 =	sshrl.u32 s9, $0x1;
	s31 =	sshll.u32 s5, $0x4  }
0xd: {  	s6 =	sadd.s32 s6, s4;
	s4 =	sadd.s32 $0x9600, s4;
	s9 =	ssub.s32 s9, s10  }
0xe: {  	s7 =	sadd.s32 s7, s31;
	s8 =	sadd.s32 s8, s31;
	s10 =	simm.s32 $0x400  }
0xf: {  	v0 =	vimm.s32 $0x0;
	s5 =	sadd.s32 $0x2600, s6;
	s6 =	sadd.s32 $0x8600, s6;
	s9 =	smax.u32 s9, $0x1  }
.LBB2_1:
0x10: {  	[tilespmem:s2], [sflag:$0x1] =	stream.linear.gather [hbm4b:s3+s2], $0xC400, $0x38;
	[tilespmem:$0xE200] =	vst v63  }
0x11: {  	_ = 	snop  }
0x12: {  	[tilespmem:s12], [sflag:$0x2] =	stream.strided.gather [hbm4b:s5+s10], $0x1800, s11, s10, $0x38;
	[tilespmem:$0xE200] =	vst v63  }
0x13: {  	_ = 	snop  }
0x14: {  	[tilespmem:s13], [sflag:$0x2] =	stream.linear.gather [hbm4b:s6+s2], $0x100, $0x38;
	[tilespmem:$0xE200] =	vst v63  }
0x15: {  	_ = 	snop  }
0x16: {  	[tilespmem:s14], [sflag:$0x3] =	stream.linear.gather [hbm4b:s7+s2], $0x80, $0x38;
	[tilespmem:$0xE200] =	vst v63  }
0x17: {  	_ = 	snop  }
0x18: {  	[tilespmem:s15], [sflag:$0x4] =	stream.linear.gather [hbm4b:s4+s2], $0x80, $0x38;
	[tilespmem:$0xE200] =	vst v63  }
0x19: {  	[tilespmem:$0xC400] =	vst v0  }
0x1a: {  	_ =	swait.ge [sflag:s16], $0x1900  }
0x1b: {  	[sflag:s16] =	ssyncset.done $0x0  }
0x1c: {  	[sflag:s16] =	ssyncadd.s32 $0xFFFFE700  }
0x1d: {  	_ =	swait.ge [sflag:s17], $0x80  }
0x1e: {  	[sflag:s17] =	ssyncset.done $0x0  }
0x1f: {  	[sflag:s17] =	ssyncadd.s32 $0xFFFFFF80  }
0x20: {  	_ =	swait.ge [sflag:s18], $0x80  }
0x21: {  	[sflag:s18] =	ssyncset.done $0x0  }
0x22: {  	[sflag:s18] =	ssyncadd.s32 $0xFFFFFF80  }
0x23: {  	_ =	swait.ge [sflag:s19], $0xC400  }
0x24: {  	[sflag:s19] =	ssyncset.done $0x0  }
0x25: {  	[sflag:s19] =	ssyncadd.s32 $0xFFFF3C00  }
0x26: {  	v1 =	vld [tilespmem:$0xE100]  }
0x27: {  	v11 =	vld [tilespmem:$0xE080]  }
0x28: {  	v9 =	vld [tilespmem:$0xE090]  }
0x29: {  	v8 =	vld [tilespmem:$0xE0A0]  }
0x2a: {  	v7 =	vld [tilespmem:$0xE0B0]  }
0x2b: {  	v5 =	vld [tilespmem:$0xE0C0]  }
0x2c: {  	v3 =	vld [tilespmem:$0xE0D0]  }
0x2d: {  	s23 =	simm.s32 $0x0;
	v2 =	vld [tilespmem:$0xE0E0]  }
0x2e: {  	v6 =	vld [tilespmem:s23+$0xC500]  }
0x2f: {  	v10 =	vld [tilespmem:s23+$0xC510]  }
0x30: {  	v13 =	vld [tilespmem:s23+$0xC530]  }
0x31: {  	v15 =	vld [tilespmem:s23+$0xC480]  }
0x32: {  	v14 =	vld [tilespmem:s23+$0xC570]  }
0x33: {  	v17 =	vld [tilespmem:s23+$0xC540]  }
0x34: {  	v18 =	vld [tilespmem:s23+$0xC4F0]  }
0x35: {  	v19 =	vld [tilespmem:s23+$0xC490]  }
0x36: {  	v20 =	vld [tilespmem:s23+$0xC4D0]  }
0x37: {  	v21 =	vld [tilespmem:s23+$0xC560]  }
0x38: {  	v26 =	vld [tilespmem:s23+$0xC4A0]  }
0x39: {  	v22 =	vld [tilespmem:s23+$0xC4C0];
	v4 =	vand.u32 $0xFFFFFF, v13  }
0x3a: {  	v25 =	vld [tilespmem:s23+$0xC4B0];
	v16 =	vand.u32 $0xFFFFFF, v17  }
0x3b: {  	v28 =	vld [tilespmem:s23+$0xC550];
	v23 =	vand.u32 $0xFFFFFF, v20  }
0x3c: {  	v12 =	vld [tilespmem:s23+$0xC4E0];
	v29 =	vand.u32 $0xFFFFFF, v21  }
0x3d: {  	v35 =	vld [tilespmem:s23+$0xC520];
	v34 =	vand.u32 $0xFFFFFF, v26  }
0x3e: {  	v27 =	vand.u32 $0xFFFFFF, v18;
	v30 =	vand.u32 $0xFFFFFF, v22;
	v24 =	vld.idx.msk [tilespmem:v4+s2+$0x0], $0xffff  }
0x3f: {  	v32 =	vand.u32 $0xFFFFFF, v6;
	v33 =	vand.u32 $0xFFFFFF, v15;
	v39 =	vand.u32 $0xFFFFFF, v10;
	v31 =	vld.idx.msk [tilespmem:v16+s2+$0x0], $0xffff  }
0x40: {  	v38 =	vand.u32 $0xFFFFFF, v19;
	v13 =	vshra.s32 v13, $0x18;
	v40 =	vand.u32 $0xFFFFFF, v14;
	v23 =	vld.idx.msk [tilespmem:v23+s2+$0x0], $0xffff  }
0x41: {  	v41 =	vand.u32 $0xFFFFFF, v28;
	v42 =	vand.u32 $0xFFFFFF, v12;
	v20 =	vshra.s32 v20, $0x18;
	v29 =	vld.idx.msk [tilespmem:v29+s2+$0x0], $0xffff  }
0x42: {  	v14 =	vshra.s32 v14, $0x18;
	v16 =	vshra.s32 v28, $0x18;
	v28 =	vshra.s32 v10, $0x18;
	v10 =	vld.idx.msk [tilespmem:v34+s2+$0x0], $0xffff  }
0x43: {  	v15 =	vshra.s32 v15, $0x18;
	v63 =	vand.u32 $0xFFFFFF, v25;
	v36 =	vand.u32 $0xFFFFFF, v35;
	v27 =	vld.idx.msk [tilespmem:v27+s2+$0x0], $0xffff  }
0x44: {  	v18 =	vshra.s32 v18, $0x18;
	v35 =	vshra.s32 v35, $0x18;
	v4 =	vimm.f32 $0.0e+00;
	v43 =	vld.idx.msk [tilespmem:v30+s2+$0x0], $0xffff  }
0x45: {  	v30 =	vshra.s32 v6, $0x18;
	v44 =	vld.idx.msk [tilespmem:v33+s2+$0x0], $0xffff;
	v33 =	vshra.s32 v19, $0x18;
	v19 =	vshra.s32 v21, $0x18  }
0x46: {  	v6 =	vld [tilespmem:$0xE0F0];
	v21 =	vshra.s32 v26, $0x18;
	v24 =	vshra.s32 v24, v13;
	v13 =	vshra.s32 v17, $0x18  }
0x47: {  	v37 =	vld.idx.msk [tilespmem:v32+s2+$0x0], $0xffff;
	v20 =	vshra.s32 v23, v20;
	v19 =	vshra.s32 v29, v19;
	v10 =	vshra.s32 v10, v21  }
0x48: {  	v38 =	vld.idx.msk [tilespmem:v38+s2+$0x0], $0xffff;
	v18 =	vshra.s32 v27, v18;
	v27 =	vimm.f32 $0.0e+00;
	v13 =	vshra.s32 v31, v13  }
0x49: {  	v34 =	vld.idx.msk [tilespmem:v63+s2+$0x0], $0xffff;
	v17 =	vshll.u32 v24, $0x10;
	v23 =	vshll.u32 v20, $0x10;
	v20 =	vshra.s32 v22, $0x18  }
0x4a: {  	v24 =	vld.idx.msk [tilespmem:v41+s2+$0x0], $0xffff;
	v31 =	vshra.s32 v25, $0x18;
	v10 =	vshll.u32 v10, $0x10;
	v26 =	vshll.u32 v18, $0x10  }
0x4b: {  	v25 =	vld.idx.msk [tilespmem:v42+s2+$0x0], $0xffff;
	v21 =	vshll.u32 v19, $0x10;
	v19 =	vimm.f32 $0.0e+00;
	v22 =	vimm.f32 $0.0e+00  }
0x4c: {  	v18 =	vimm.f32 $0.0e+00;
	v29 =	vshra.s32 v43, v20;
	v20 =	vld.idx.msk [tilespmem:v40+s2+$0x0], $0xffff;
	v40 =	vshra.s32 v44, v15  }
0x4d: {  	s23 =	simm.s32 $0x400;
	v39 =	vld.idx.msk [tilespmem:v39+s2+$0x0], $0xffff;
	v32 =	vadd.f32 v10, v4;
	v15 =	vimm.f32 $0.0e+00;
	v10 =	vimm.f32 $0.0e+00  }
.LBB2_2:
0x4e: {  	s24 =	sshra.s32 s23, $0x2;
	p0 =	sne.s32 s23, $0x6000;
	s23 =	sadd.s32 $0x400, s23;
	v29 =	vshll.u32 v29, $0x10;
	v12 =	vshra.s32 v12, $0x18;
	v4 =	vadd.f32 v26, v4;
	v26 =	vld.idx.msk [tilespmem:v36+s2+$0x0], $0xffff  }
0x4f: {  	v40 =	vshll.u32 v40, $0x10;
	v15 =	vadd.f32 v23, v15;
	v16 =	vshra.s32 v24, v16;
	v36 =	vld [tilespmem:s24+$0xC500]  }
0x50: {  	v24 =	vshra.s32 v38, v33;
	v19 =	vadd.f32 v29, v19;
	v16 =	vshll.u32 v16, $0x10;
	v23 =	vld [tilespmem:s24+$0xC510]  }
0x51: {  	v14 =	vshra.s32 v20, v14;
	v12 =	vshra.s32 v25, v12;
	v25 =	vshra.s32 v37, v30;
	v29 =	vld [tilespmem:s24+$0xC530]  }
0x52: {  	v14 =	vshll.u32 v14, $0x10;
	v30 =	vshra.s32 v34, v31;
	v12 =	vshll.u32 v12, $0x10;
	v20 =	vld [tilespmem:s24+$0xC480]  }
0x53: {  	v25 =	vshll.u32 v25, $0x10;
	v4 =	vadd.f32 v14, v4;
	v28 =	vshra.s32 v39, v28;
	v31 =	vld [tilespmem:s24+$0xC570]  }
0x54: {  	v15 =	vadd.f32 v16, v15;
	v30 =	vshll.u32 v30, $0x10;
	v26 =	vshra.s32 v26, v35;
	v14 =	vld [tilespmem:s24+$0xC540]  }
0x55: {  	v16 =	vshll.u32 v24, $0x10;
	v10 =	vadd.f32 v12, v10;
	v12 =	vshll.u32 v26, $0x10;
	v34 =	vld [tilespmem:s24+$0xC4F0]  }
0x56: {  	v28 =	vshll.u32 v28, $0x10;
	v26 =	vadd.f32 v40, v27;
	v32 =	vadd.f32 v12, v32;
	v24 =	vld [tilespmem:s24+$0xC490]  }
0x57: {  	v16 =	vadd.f32 v16, v22;
	v10 =	vadd.f32 v21, v10;
	v12 =	vand.u32 $0xFFFFFF, v29;
	v33 =	vld [tilespmem:s24+$0xC4D0]  }
0x58: {  	v13 =	vshll.u32 v13, $0x10;
	v18 =	vadd.f32 v30, v18;
	v27 =	vadd.f32 v25, v26;
	v21 =	vld [tilespmem:s24+$0xC560]  }
0x59: {  	v19 =	vadd.f32 v13, v19;
	v22 =	vadd.f32 v28, v16;
	v25 =	vld [tilespmem:s24+$0xC4C0];
	v26 =	vand.u32 $0xFFFFFF, v14  }
0x5a: {  	v18 =	vadd.f32 v17, v18;
	v35 =	vld [tilespmem:s24+$0xC4B0]  }
0x5b: {  	v13 =	vand.u32 $0xFFFFFF, v34;
	v39 =	vld [tilespmem:s24+$0xC4A0]  }
0x5c: {  	v17 =	vand.u32 $0xFFFFFF, v36;
	v16 =	vand.u32 $0xFFFFFF, v33;
	v28 =	vld.idx.msk [tilespmem:v12+s2+$0x0], $0xffff  }
0x5d: {  	v30 =	vld [tilespmem:s24+$0xC550]  }
0x5e: {  	v38 =	vand.u32 $0xFFFFFF, v20;
	v40 =	vand.u32 $0xFFFFFF, v21;
	v37 =	vand.u32 $0xFFFFFF, v25;
	v26 =	vld.idx.msk [tilespmem:v26+s2+$0x0], $0xffff  }
0x5f: {  	v41 =	vand.u32 $0xFFFFFF, v23;
	v12 =	vld [tilespmem:s24+$0xC4E0]  }
0x60: {  	v45 =	vand.u32 $0xFFFFFF, v31;
	v42 =	vand.u32 $0xFFFFFF, v24;
	v43 =	vand.u32 $0xFFFFFF, v39;
	v44 =	vld [tilespmem:s24+$0xC520]  }
0x61: {  	v46 =	vld.idx.msk [tilespmem:v16+s2+$0x0], $0xffff;
	v16 =	vshra.s32 v29, $0x18  }
0x62: {  	v47 =	vld.idx.msk [tilespmem:v13+s2+$0x0], $0xffff;
	v29 =	vshra.s32 v28, v16;
	v48 =	vand.u32 $0xFFFFFF, v30;
	v16 =	vshra.s32 v30, $0x18  }
0x63: {  	v13 =	vshra.s32 v14, $0x18;
	v40 =	vld.idx.msk [tilespmem:v40+s2+$0x0], $0xffff  }
0x64: {  	v13 =	vshra.s32 v26, v13;
	v49 =	vld.idx.msk [tilespmem:v37+s2+$0x0], $0xffff;
	v50 =	vand.u32 $0xFFFFFF, v12  }
0x65: {  	v30 =	vshra.s32 v36, $0x18;
	v28 =	vshra.s32 v23, $0x18;
	v26 =	vld.idx.msk [tilespmem:v43+s2+$0x0], $0xffff  }
0x66: {  	v23 =	vshra.s32 v33, $0x18;
	v14 =	vshra.s32 v31, $0x18;
	v37 =	vld.idx.msk [tilespmem:v17+s2+$0x0], $0xffff;
	v17 =	vshll.u32 v29, $0x10  }
0x67: {  	v51 =	vshra.s32 v20, $0x18;
	v52 =	vand.u32 $0xFFFFFF, v35;
	v20 =	vshra.s32 v46, v23;
	v43 =	vld.idx.msk [tilespmem:v38+s2+$0x0], $0xffff  }
0x68: {  	v33 =	vshra.s32 v24, $0x18;
	v23 =	vshll.u32 v20, $0x10;
	v20 =	vshra.s32 v21, $0x18;
	v24 =	vld.idx.msk [tilespmem:v48+s2+$0x0], $0xffff  }
.Ltmp0:
0x69: {  	v36 =	vand.u32 $0xFFFFFF, v44;
	v21 =	vshra.s32 v25, $0x18;
	v38 =	vld.idx.msk [tilespmem:v42+s2+$0x0], $0xffff;
	v42 =	vshra.s32 v40, v20;
	(pc) =	sbr.rel @p0 .LBB2_2-.Ltmp0, $4  }
0x6a: {  	v25 =	vshra.s32 v39, $0x18;
	v29 =	vshra.s32 v49, v21;
	v21 =	vshra.s32 v34, $0x18;
	v20 =	vld.idx.msk [tilespmem:v45+s2+$0x0], $0xffff  }
0x6b: {  	v31 =	vshra.s32 v35, $0x18;
	v26 =	vshra.s32 v26, v25;
	v21 =	vshra.s32 v47, v21;
	v25 =	vld.idx.msk [tilespmem:v50+s2+$0x0], $0xffff  }
0x6c: {  	v35 =	vshra.s32 v44, $0x18;
	v39 =	vshll.u32 v26, $0x10;
	v26 =	vshll.u32 v21, $0x10;
	v34 =	vld.idx.msk [tilespmem:v52+s2+$0x0], $0xffff  }
0x6d: {  	v21 =	vshll.u32 v42, $0x10;
	v40 =	vshra.s32 v43, v51;
	v32 =	vadd.f32 v39, v32;
	v39 =	vld.idx.msk [tilespmem:v41+s2+$0x0], $0xffff  }
0x6e: {  	v11 =	vcvt.s32.f32 v11;
	_ =	sdelay $0x1  }
0x6f: {  	(erf) = vrcp.f32 v11;
	_ =	sdelay $0x4  }
0x70: {  	v42 =	vshll.u32 v40, $0x10  }
0x71: {  	v30 =	vshra.s32 v37, v30;
	v11 =	vadd.f32 v42, v27  }
0x72: {  	v43 =	vshll.u32 v30, $0x10  }
0x73: {  	v11 =	vadd.f32 v43, v11  }
0x74: {  	v44 =	vpop (erf)  }
0x75: {  	v11 =	vmul.f32 v11, v44;
	_ =	sdelay $0x1  }
0x76: {  	v11 =	vadd.f32 v11, v1;
	_ =	sdelay $0x1  }
0x77: {  	v11 =	vsub.f32 $0.0e+00, v11;
	_ =	sdelay $0x1  }
0x78: {  	v11 =	vmul.f32 $1.442695020e+00, v11;
	_ =	sdelay $0x1  }
0x79: {  	(erf) = vpow2.f32 v11;
	_ =	sdelay $0x8  }
0x7a: {  	v11 =	vpop (erf)  }
0x7b: {  	v11 =	vadd.f32 $1.000000000e+00, v11  }
0x7c: {  	v9 =	vcvt.s32.f32 v9  }
0x7d: {  	(erf) = vrcp.f32 v11  }
0x7e: {  	(erf) = vrcp.f32 v9;
	_ =	sdelay $0x3  }
0x7f: {  	v45 =	vshra.s32 v38, v33  }
0x80: {  	v9 =	vshll.u32 v45, $0x10  }
0x81: {  	v46 =	vshra.s32 v39, v28;
	v9 =	vadd.f32 v9, v22  }
0x82: {  	v11 =	vshll.u32 v46, $0x10  }
0x83: {  	v9 =	vadd.f32 v11, v9;
	v47 =	vpop (erf)  }
0x84: {  	v48 =	vpop (erf)  }
0x85: {  	v9 =	vmul.f32 v9, v48;
	_ =	sdelay $0x1  }
0x86: {  	v9 =	vadd.f32 v9, v1;
	_ =	sdelay $0x1  }
0x87: {  	v9 =	vsub.f32 $0.0e+00, v9;
	_ =	sdelay $0x1  }
0x88: {  	v9 =	vmul.f32 $1.442695020e+00, v9;
	_ =	sdelay $0x1  }
0x89: {  	(erf) = vpow2.f32 v9;
	_ =	sdelay $0x8  }
0x8a: {  	v9 =	vpop (erf)  }
0x8b: {  	v9 =	vadd.f32 $1.000000000e+00, v9  }
0x8c: {  	v8 =	vcvt.s32.f32 v8  }
0x8d: {  	(erf) = vrcp.f32 v9  }
0x8e: {  	(erf) = vrcp.f32 v8  }
0x8f: {  	v49 =	vld.idx.msk [tilespmem:v36+s2+$0x0], $0xffff;
	_ =	sdelay $0x4  }
0x90: {  	v8 =	vshra.s32 v49, v35  }
0x91: {  	v8 =	vshll.u32 v8, $0x10  }
0x92: {  	v8 =	vadd.f32 v8, v32;
	v9 =	vpop (erf)  }
0x93: {  	v50 =	vpop (erf)  }
0x94: {  	v8 =	vmul.f32 v8, v50;
	_ =	sdelay $0x1  }
0x95: {  	v8 =	vadd.f32 v8, v1;
	_ =	sdelay $0x1  }
0x96: {  	v8 =	vsub.f32 $0.0e+00, v8;
	_ =	sdelay $0x1  }
0x97: {  	v8 =	vmul.f32 $1.442695020e+00, v8;
	_ =	sdelay $0x1  }
0x98: {  	(erf) = vpow2.f32 v8;
	_ =	sdelay $0x8  }
0x99: {  	v8 =	vpop (erf)  }
0x9a: {  	v8 =	vadd.f32 $1.000000000e+00, v8  }
0x9b: {  	v7 =	vcvt.s32.f32 v7  }
0x9c: {  	(erf) = vrcp.f32 v8  }
0x9d: {  	(erf) = vrcp.f32 v7;
	_ =	sdelay $0x3  }
0x9e: {  	v51 =	vshra.s32 v34, v31  }
0x9f: {  	v7 =	vshll.u32 v51, $0x10  }
0xa0: {  	v7 =	vadd.f32 v7, v18;
	_ =	sdelay $0x1  }
0xa1: {  	v7 =	vadd.f32 v17, v7;
	v8 =	vpop (erf)  }
0xa2: {  	v52 =	vpop (erf)  }
0xa3: {  	v7 =	vmul.f32 v7, v52;
	_ =	sdelay $0x1  }
0xa4: {  	v7 =	vadd.f32 v7, v1;
	_ =	sdelay $0x1  }
0xa5: {  	v7 =	vsub.f32 $0.0e+00, v7;
	_ =	sdelay $0x1  }
0xa6: {  	v7 =	vmul.f32 $1.442695020e+00, v7;
	_ =	sdelay $0x1  }
0xa7: {  	(erf) = vpow2.f32 v7;
	_ =	sdelay $0x8  }
0xa8: {  	v7 =	vpop (erf)  }
0xa9: {  	v7 =	vadd.f32 $1.000000000e+00, v7  }
0xaa: {  	v5 =	vcvt.s32.f32 v5  }
0xab: {  	(erf) = vrcp.f32 v7  }
0xac: {  	(erf) = vrcp.f32 v5;
	_ =	sdelay $0x4  }
0xad: {  	v53 =	vshll.u32 v29, $0x10  }
0xae: {  	v5 =	vadd.f32 v53, v19  }
0xaf: {  	v54 =	vshll.u32 v13, $0x10  }
0xb0: {  	v5 =	vadd.f32 v54, v5;
	v55 =	vpop (erf)  }
0xb1: {  	v56 =	vpop (erf)  }
0xb2: {  	v5 =	vmul.f32 v5, v56;
	_ =	sdelay $0x1  }
0xb3: {  	v5 =	vadd.f32 v5, v1;
	_ =	sdelay $0x1  }
0xb4: {  	v5 =	vsub.f32 $0.0e+00, v5;
	_ =	sdelay $0x1  }
0xb5: {  	v5 =	vmul.f32 $1.442695020e+00, v5;
	_ =	sdelay $0x1  }
0xb6: {  	(erf) = vpow2.f32 v5;
	_ =	sdelay $0x8  }
0xb7: {  	v5 =	vpop (erf)  }
0xb8: {  	v5 =	vadd.f32 $1.000000000e+00, v5  }
0xb9: {  	v3 =	vcvt.s32.f32 v3  }
0xba: {  	(erf) = vrcp.f32 v5  }
0xbb: {  	(erf) = vrcp.f32 v3;
	_ =	sdelay $0x5  }
0xbc: {  	v57 =	vshra.s32 v24, v16;
	v3 =	vadd.f32 v23, v15  }
0xbd: {  	v5 =	vshll.u32 v57, $0x10  }
0xbe: {  	v3 =	vadd.f32 v5, v3;
	v58 =	vpop (erf)  }
0xbf: {  	v59 =	vpop (erf)  }
0xc0: {  	v3 =	vmul.f32 v3, v59;
	_ =	sdelay $0x1  }
0xc1: {  	v3 =	vadd.f32 v3, v1;
	_ =	sdelay $0x1  }
0xc2: {  	v3 =	vsub.f32 $0.0e+00, v3;
	_ =	sdelay $0x1  }
0xc3: {  	v3 =	vmul.f32 $1.442695020e+00, v3;
	_ =	sdelay $0x1  }
0xc4: {  	(erf) = vpow2.f32 v3;
	_ =	sdelay $0x8  }
0xc5: {  	v3 =	vpop (erf)  }
0xc6: {  	v3 =	vadd.f32 $1.000000000e+00, v3  }
0xc7: {  	v2 =	vcvt.s32.f32 v2  }
0xc8: {  	(erf) = vrcp.f32 v3  }
0xc9: {  	(erf) = vrcp.f32 v2;
	_ =	sdelay $0x2  }
0xca: {  	v2 =	vshra.s32 v12, $0x18  }
0xcb: {  	v2 =	vshra.s32 v25, v2  }
0xcc: {  	v2 =	vshll.u32 v2, $0x10  }
0xcd: {  	v2 =	vadd.f32 v2, v10;
	_ =	sdelay $0x1  }
0xce: {  	v2 =	vadd.f32 v21, v2;
	v3 =	vpop (erf)  }
0xcf: {  	v60 =	vpop (erf)  }
0xd0: {  	v2 =	vmul.f32 v2, v60;
	_ =	sdelay $0x1  }
0xd1: {  	v2 =	vadd.f32 v2, v1;
	_ =	sdelay $0x1  }
0xd2: {  	v2 =	vsub.f32 $0.0e+00, v2;
	_ =	sdelay $0x1  }
0xd3: {  	v2 =	vmul.f32 $1.442695020e+00, v2;
	_ =	sdelay $0x1  }
0xd4: {  	(erf) = vpow2.f32 v2;
	_ =	sdelay $0x8  }
0xd5: {  	v2 =	vpop (erf)  }
0xd6: {  	v2 =	vadd.f32 $1.000000000e+00, v2  }
0xd7: {  	v6 =	vcvt.s32.f32 v6  }
0xd8: {  	(erf) = vrcp.f32 v2  }
0xd9: {  	(erf) = vrcp.f32 v6;
	_ =	sdelay $0x5  }
0xda: {  	v61 =	vshra.s32 v20, v14;
	v2 =	vadd.f32 v26, v4  }
0xdb: {  	v4 =	vshll.u32 v61, $0x10  }
0xdc: {  	v2 =	vadd.f32 v4, v2;
	v62 =	vpop (erf)  }
0xdd: {  	v63 =	vpop (erf)  }
0xde: {  	v2 =	vmul.f32 v2, v63;
	_ =	sdelay $0x1  }
0xdf: {  	v1 =	vadd.f32 v2, v1;
	_ =	sdelay $0x1  }
0xe0: {  	v1 =	vsub.f32 $0.0e+00, v1;
	_ =	sdelay $0x1  }
0xe1: {  	v1 =	vmul.f32 $1.442695020e+00, v1;
	_ =	sdelay $0x1  }
0xe2: {  	(erf) = vpow2.f32 v1;
	_ =	sdelay $0x8  }
0xe3: {  	v1 =	vpop (erf)  }
0xe4: {  	v1 =	vadd.f32 $1.000000000e+00, v1;
	_ =	sdelay $0x1  }
0xe5: {  	(erf) = vrcp.f32 v1;
	_ =	sdelay $0x2  }
0xe6: {  	[tilespmem:$0xE180] =	vst v47  }
0xe7: {  	[tilespmem:$0xE190] =	vst v9  }
0xe8: {  	[tilespmem:$0xE1A0] =	vst v8  }
0xe9: {  	[tilespmem:$0xE1B0] =	vst v55  }
0xea: {  	[tilespmem:$0xE1C0] =	vst v58  }
0xeb: {  	s22 =	sadd.s32 $0x1, s22;
	[tilespmem:$0xE1D0] =	vst v3  }
0xec: {  	p0 =	sne.s32 s22, s9;
	[tilespmem:$0xE1E0] =	vst v62;
	v1 =	vpop (erf)  }
.Ltmp1:
0xed: {  	[tilespmem:$0xE1F0] =	vst v1;
	(pc) =	sbr.rel @p0 .LBB2_1-.Ltmp1, $4  }
0xee: {  	[hbm4b:s8+s2] =	stream.linear.scatter [tilespmem:s20], [sflag:$0x5], $0x80, $0x38;
	[tilespmem:$0xE200] =	vst v63  }
0xef: {  	_ =	swait.ge [sflag:s21], $0x80  }
0xf0: {  	[sflag:s21] =	ssyncset.done $0x0  }
0xf1: {  	[sflag:s21] =	ssyncadd.s32 $0xFFFFFF80  }
0xf2: {  	_ =	sfence.sel $0x180000  }
0xf3: {  	[bflag:$0x0] =	sbarrier.arrive $0xFFFF  }
0xf4: {  	p0 =	sne.s32 s1, $0x0;
	_ =	strace $0x90000047  }
0xf5: {  	s0 =	sadd.s32 @!p0 $0x100000, s0;
	[bflag:$0x2] =	sbarrier.arrive $0xFFFF  }
0xf6: {  	[sflag:s0] =	ssyncadd.tile.s32 @!p0 $0x1;
	_ =	shalt  }
.Lfunc_end2:
_tile_overlayer_lowered:
.L_overlay_start_2:
0xf7: {  	(tag) =	ssettag $0x2  }
0xf8: {  	s0 =	rddreg [dreg:$0x0];
	s2 =	stileid.u32  }
0xf9: {  	s1 =	rddreg [dreg:$0x1];
	p0 =	sne.s32 s2, $0x0  }
0xfa: {  	s3 =	rddreg [dreg:$0x2];
	[bflag:$0x3] =	sbarrier.arrive $0xFFFF;
	s2 =	simm.s32 @!p0 $0x1C05  }
0xfb: {  	[timem:s3], [sflag:s2] =	dma.local @!p0 [hbm:s0], s1  }
0xfc: {  	s0 =	simm.s32 @!p0 $0x5  }
0xfd: {  	_ =	swait.ge @!p0 [sflag:s0], s1  }
0xfe: {  	s1 =	ssub.s32 @!p0 $0x0, s1;
	[sflag:s0] =	ssyncset.done @!p0 $0x0  }
0xff: {  	[sflag:s0] =	ssyncadd.s32 @!p0 s1  }
0x100: {  	[bflag:$0x3] =	sbarrier.arrive $0xFFFF  }
0x101: {  	_ =	shalt  }

</sc_bundles>
